<compile_context>
chip_gen: v7x
topology: tpu7x:2x2x1
jax: 0.10.2.dev20260603
libtpu: 0.0.44.dev20260713+nightly
codegen_flags: <defaults>
</compile_context>

<pallas_src>
import functools
import math

import jax
import jax.numpy as jnp
from jax import lax
from jax.experimental import pallas as pl
from jax.experimental.pallas import tpu as pltpu
from jax.experimental.pallas import tpu_sc as plsc

_INFO = plsc.get_sparse_core_info()
_NC = _INFO.num_cores
_NS = _INFO.num_subcores
_L = _INFO.num_lanes
_NW = _NC * _NS

_CH = 128


@functools.lru_cache(maxsize=None)
def _make_gather(B, D, num_objs):
    b_per_w = B // _NW
    n_ch = b_per_w // _CH
    mesh = plsc.VectorSubcoreMesh(core_axis_name="c", subcore_axis_name="s")

    @functools.partial(
        pl.kernel,
        mesh=mesh,
        out_type=jax.ShapeDtypeStruct((B, D), jnp.float32),
        compiler_params=pltpu.CompilerParams(use_tc_tiling_on_sc=False),
        scratch_types=[
            pltpu.VMEM((b_per_w,), jnp.int32),
            pltpu.VMEM((b_per_w,), jnp.int32),
            pltpu.VMEM((n_ch, _CH), jnp.int32),
            pltpu.VMEM((b_per_w, D), jnp.float32),
            pltpu.SemaphoreType.DMA,
        ],
    )
    def gather_kernel(l0_hbm, l1_hbm, table_hbm, out_hbm,
                      l0_v, l1_v, idx_v, rows_v, sem):
        wid = lax.axis_index("s") * _NC + lax.axis_index("c")
        base = wid * b_per_w
        pltpu.sync_copy(l0_hbm.at[pl.ds(base, b_per_w)], l0_v)
        pltpu.sync_copy(l1_hbm.at[pl.ds(base, b_per_w)], l1_v)
        for j in range(n_ch):
            for i in range(_CH // _L):
                off = j * _CH + i * _L
                a = l0_v[pl.ds(off, _L)]
                b = l1_v[pl.ds(off, _L)]
                idx_v[j, pl.ds(i * _L, _L)] = a * num_objs + b
        copies = [
            pltpu.async_copy(table_hbm.at[idx_v.at[j]],
                             rows_v.at[pl.ds(j * _CH, _CH)], sem)
            for j in range(n_ch)
        ]
        for c in copies:
            c.wait()
        pltpu.sync_copy(rows_v, out_hbm.at[pl.ds(base, b_per_w)])

    return gather_kernel


def kernel(labels, table, num_objs):
    B = labels.shape[0]
    D = table.shape[1]
    n = math.isqrt(table.shape[0])
    l0 = labels[:, 0]
    l1 = labels[:, 1]
    return _make_gather(B, D, n)(l0, l1, table)

# --- scband reference (transcript-rebuilt; emitter-appended) ---
"""Pipeline reference for scband-frequency-bias-52209622450330 (READ-ONLY COPY).

The authoritative reference and input builder live on the scoring server;
editing this copy changes nothing except your own understanding.
"""

import jax, jax.numpy as jnp
import numpy as np

NUM_OBJS = 1000
NUM_PRD = 64
BATCH = 16384

def setup_inputs(seed: int = 0) -> dict:
    key = jax.random.key(seed)
    k1, k2 = jax.random.split(key)
    # labels: [batch, 2] pairs of object class indices in [0, NUM_OBJS)
    labels = jax.random.randint(k1, (BATCH, 2), 0, NUM_OBJS, dtype=jnp.int32)
    # rel_baseline embedding table: [NUM_OBJS*NUM_OBJS, NUM_PRD]
    # In the original module this is a log-frequency prior (pred_dist); we
    # materialize a random table of the same shape/scale.
    table = jax.random.normal(k2, (NUM_OBJS * NUM_OBJS, NUM_PRD), dtype=jnp.float32) * 0.05
    return {"labels": labels, "table": table, "num_objs": NUM_OBJS}

def reference(labels, table, num_objs):
    # FrequencyBias.rel_index_with_labels:
    # flat index = labels[:,0] * num_objs + labels[:,1], then embedding lookup
    idx = labels[:, 0] * num_objs + labels[:, 1]
    return jnp.take(table, idx, axis=0)

if __name__ == "__main__":
    import jax
    _d = setup_inputs()
    print(jax.jit(kernel)(*tuple(_d.values())))

</pallas_src>

<mosaic_0001>
#map = affine_map<(d0, d1) -> (0)>
#map1 = affine_map<(d0, d1) -> (0, 0)>
module attributes {stable_mosaic.version = 14 : i64} {
  func.func @gather_kernel(%arg0: i32, %arg1: i32, %arg2: memref<16384xi32, #tpu.memory_space<hbm>>, %arg3: memref<16384xi32, #tpu.memory_space<hbm>>, %arg4: memref<1000000x64xf32, #tpu.memory_space<hbm>>, %arg5: memref<16384x64xf32, #tpu.memory_space<hbm>>, %arg6: memref<512xi32, #tpu.memory_space<vmem>>, %arg7: memref<512xi32, #tpu.memory_space<vmem>>, %arg8: memref<4x128xi32, #tpu.memory_space<vmem>>, %arg9: memref<512x64xf32, #tpu.memory_space<vmem>>, %arg10: memref<!tpu.dma_semaphore, #tpu.memory_space<semaphore_mem>>) attributes {dimension_semantics = [#tpu.dimension_semantics<core_parallel>, #tpu.dimension_semantics<subcore_parallel>], iteration_bounds = array<i64: 2, 16>, scalar_prefetch = 0 : i64, scratch_operands = 5 : i64, tpu.core_type = #tpu.core_type<sc_vector_subcore>, window_params = [{transform_indices = #map}, {transform_indices = #map}, {transform_indices = #map1}, {transform_indices = #map1}]} {
    %mul3A = arith.constant 2 : i32
    %mul3A_0 = arith.muli %arg1, %mul3A : i32
    %add3A = arith.addi %mul3A_0, %arg0 : i32
    %mul3A_1 = arith.constant 512 : i32
    %mul3A_2 = arith.muli %add3A, %mul3A_1 : i32
    "tpu.region"() ({
      %run_scoped3A = tpu.sem_alloc : memref<!tpu.dma_semaphore, #tpu.memory_space<semaphore_mem>>
      %dma_start3A_591 = tpu.memref_slice %arg2[%mul3A_2] : memref<16384xi32, #tpu.memory_space<hbm>> -> memref<512xi32, #tpu.memory_space<hbm>>
      %dma_start3A_592 = tpu.memref_slice %arg2[%mul3A_2] : memref<16384xi32, #tpu.memory_space<hbm>> -> memref<512xi32, #tpu.memory_space<hbm>>
      tpu.enqueue_dma source(%dma_start3A_592 : memref<512xi32, #tpu.memory_space<hbm>>) target(%arg6 : memref<512xi32, #tpu.memory_space<vmem>>) target_semaphore(%run_scoped3A : memref<!tpu.dma_semaphore, #tpu.memory_space<semaphore_mem>>)
      %dma_wait3A_593 = tpu.memref_slice %arg2[%mul3A_2] : memref<16384xi32, #tpu.memory_space<hbm>> -> memref<512xi32, #tpu.memory_space<hbm>>
      %dma_wait3A_594 = tpu.memref_slice %arg2[%mul3A_2] : memref<16384xi32, #tpu.memory_space<hbm>> -> memref<512xi32, #tpu.memory_space<hbm>>
      tpu.wait_dma2 semaphore(%run_scoped3A : memref<!tpu.dma_semaphore, #tpu.memory_space<semaphore_mem>>) src(%dma_wait3A_594 : memref<512xi32, #tpu.memory_space<hbm>>) dst(%arg6 : memref<512xi32, #tpu.memory_space<vmem>>)
      tpu.yield
    }) : () -> ()
    "tpu.region"() ({
      %run_scoped3A = tpu.sem_alloc : memref<!tpu.dma_semaphore, #tpu.memory_space<semaphore_mem>>
      %dma_start3A_591 = tpu.memref_slice %arg3[%mul3A_2] : memref<16384xi32, #tpu.memory_space<hbm>> -> memref<512xi32, #tpu.memory_space<hbm>>
      %dma_start3A_592 = tpu.memref_slice %arg3[%mul3A_2] : memref<16384xi32, #tpu.memory_space<hbm>> -> memref<512xi32, #tpu.memory_space<hbm>>
      tpu.enqueue_dma source(%dma_start3A_592 : memref<512xi32, #tpu.memory_space<hbm>>) target(%arg7 : memref<512xi32, #tpu.memory_space<vmem>>) target_semaphore(%run_scoped3A : memref<!tpu.dma_semaphore, #tpu.memory_space<semaphore_mem>>)
      %dma_wait3A_593 = tpu.memref_slice %arg3[%mul3A_2] : memref<16384xi32, #tpu.memory_space<hbm>> -> memref<512xi32, #tpu.memory_space<hbm>>
      %dma_wait3A_594 = tpu.memref_slice %arg3[%mul3A_2] : memref<16384xi32, #tpu.memory_space<hbm>> -> memref<512xi32, #tpu.memory_space<hbm>>
      tpu.wait_dma2 semaphore(%run_scoped3A : memref<!tpu.dma_semaphore, #tpu.memory_space<semaphore_mem>>) src(%dma_wait3A_594 : memref<512xi32, #tpu.memory_space<hbm>>) dst(%arg7 : memref<512xi32, #tpu.memory_space<vmem>>)
      tpu.yield
    }) : () -> ()
    %get3A = arith.constant 0 : index
    %get3A_3 = tpu.vector_load %arg6[%get3A] {strides = array<i32>} : memref<512xi32, #tpu.memory_space<vmem>>, vector<16xi32>,
    %get3A_4 = vector.shape_cast %get3A_3 : vector<16xi32> to vector<16xi32>
    %get3A_5 = arith.constant 0 : index
    %get3A_6 = tpu.vector_load %arg7[%get3A_5] {strides = array<i32>} : memref<512xi32, #tpu.memory_space<vmem>>, vector<16xi32>,
    %get3A_7 = vector.shape_cast %get3A_6 : vector<16xi32> to vector<16xi32>
    %mul3A_8 = arith.constant 1000 : i32
    %mul3A_9 = vector.broadcast %mul3A_8 : i32 to vector<16xi32>
    %mul3A_10 = arith.muli %get3A_4, %mul3A_9 : vector<16xi32>
    %add3A_11 = arith.addi %mul3A_10, %get3A_7 : vector<16xi32>
    %swap3A = arith.constant 0 : i32
    %swap3A_12 = arith.index_cast %swap3A : i32 to index
    %swap3A_13 = arith.constant 0 : index
    %swap3A_14 = tpu.vector_load %arg8[%swap3A_12, %swap3A_13] {strides = array<i32>} : memref<4x128xi32, #tpu.memory_space<vmem>>, vector<1x16xi32>,
    %swap3A_15 = vector.shape_cast %swap3A_14 : vector<1x16xi32> to vector<16xi32>
    %swap3A_16 = vector.shape_cast %add3A_11 : vector<16xi32> to vector<1x16xi32>
    tpu.vector_store %arg8[%swap3A_12, %swap3A_13], %swap3A_16 {strides = array<i32>} : memref<4x128xi32, #tpu.memory_space<vmem>>, vector<1x16xi32>,
    %get3A_17 = arith.constant 16 : index
    %get3A_18 = tpu.vector_load %arg6[%get3A_17] {strides = array<i32>} : memref<512xi32, #tpu.memory_space<vmem>>, vector<16xi32>,
    %get3A_19 = vector.shape_cast %get3A_18 : vector<16xi32> to vector<16xi32>
    %get3A_20 = arith.constant 16 : index
    %get3A_21 = tpu.vector_load %arg7[%get3A_20] {strides = array<i32>} : memref<512xi32, #tpu.memory_space<vmem>>, vector<16xi32>,
    %get3A_22 = vector.shape_cast %get3A_21 : vector<16xi32> to vector<16xi32>
    %mul3A_23 = arith.constant 1000 : i32
    %mul3A_24 = vector.broadcast %mul3A_23 : i32 to vector<16xi32>
    %mul3A_25 = arith.muli %get3A_19, %mul3A_24 : vector<16xi32>
    %add3A_26 = arith.addi %mul3A_25, %get3A_22 : vector<16xi32>
    %swap3A_27 = arith.constant 0 : i32
    %swap3A_28 = arith.index_cast %swap3A_27 : i32 to index
    %swap3A_29 = arith.constant 16 : index
    %swap3A_30 = tpu.vector_load %arg8[%swap3A_28, %swap3A_29] {strides = array<i32>} : memref<4x128xi32, #tpu.memory_space<vmem>>, vector<1x16xi32>,
    %swap3A_31 = vector.shape_cast %swap3A_30 : vector<1x16xi32> to vector<16xi32>
    %swap3A_32 = vector.shape_cast %add3A_26 : vector<16xi32> to vector<1x16xi32>
    tpu.vector_store %arg8[%swap3A_28, %swap3A_29], %swap3A_32 {strides = array<i32>} : memref<4x128xi32, #tpu.memory_space<vmem>>, vector<1x16xi32>,
    %get3A_33 = arith.constant 32 : index
    %get3A_34 = tpu.vector_load %arg6[%get3A_33] {strides = array<i32>} : memref<512xi32, #tpu.memory_space<vmem>>, vector<16xi32>,
    %get3A_35 = vector.shape_cast %get3A_34 : vector<16xi32> to vector<16xi32>
    %get3A_36 = arith.constant 32 : index
    %get3A_37 = tpu.vector_load %arg7[%get3A_36] {strides = array<i32>} : memref<512xi32, #tpu.memory_space<vmem>>, vector<16xi32>,
    %get3A_38 = vector.shape_cast %get3A_37 : vector<16xi32> to vector<16xi32>
    %mul3A_39 = arith.constant 1000 : i32
    %mul3A_40 = vector.broadcast %mul3A_39 : i32 to vector<16xi32>
    %mul3A_41 = arith.muli %get3A_35, %mul3A_40 : vector<16xi32>
    %add3A_42 = arith.addi %mul3A_41, %get3A_38 : vector<16xi32>
    %swap3A_43 = arith.constant 0 : i32
    %swap3A_44 = arith.index_cast %swap3A_43 : i32 to index
    %swap3A_45 = arith.constant 32 : index
    %swap3A_46 = tpu.vector_load %arg8[%swap3A_44, %swap3A_45] {strides = array<i32>} : memref<4x128xi32, #tpu.memory_space<vmem>>, vector<1x16xi32>,
    %swap3A_47 = vector.shape_cast %swap3A_46 : vector<1x16xi32> to vector<16xi32>
    %swap3A_48 = vector.shape_cast %add3A_42 : vector<16xi32> to vector<1x16xi32>
    tpu.vector_store %arg8[%swap3A_44, %swap3A_45], %swap3A_48 {strides = array<i32>} : memref<4x128xi32, #tpu.memory_space<vmem>>, vector<1x16xi32>,
    %get3A_49 = arith.constant 48 : index
    %get3A_50 = tpu.vector_load %arg6[%get3A_49] {strides = array<i32>} : memref<512xi32, #tpu.memory_space<vmem>>, vector<16xi32>,
    %get3A_51 = vector.shape_cast %get3A_50 : vector<16xi32> to vector<16xi32>
    %get3A_52 = arith.constant 48 : index
    %get3A_53 = tpu.vector_load %arg7[%get3A_52] {strides = array<i32>} : memref<512xi32, #tpu.memory_space<vmem>>, vector<16xi32>,
    %get3A_54 = vector.shape_cast %get3A_53 : vector<16xi32> to vector<16xi32>
    %mul3A_55 = arith.constant 1000 : i32
    %mul3A_56 = vector.broadcast %mul3A_55 : i32 to vector<16xi32>
    %mul3A_57 = arith.muli %get3A_51, %mul3A_56 : vector<16xi32>
    %add3A_58 = arith.addi %mul3A_57, %get3A_54 : vector<16xi32>
    %swap3A_59 = arith.constant 0 : i32
    %swap3A_60 = arith.index_cast %swap3A_59 : i32 to index
    %swap3A_61 = arith.constant 48 : index
    %swap3A_62 = tpu.vector_load %arg8[%swap3A_60, %swap3A_61] {strides = array<i32>} : memref<4x128xi32, #tpu.memory_space<vmem>>, vector<1x16xi32>,
    %swap3A_63 = vector.shape_cast %swap3A_62 : vector<1x16xi32> to vector<16xi32>
    %swap3A_64 = vector.shape_cast %add3A_58 : vector<16xi32> to vector<1x16xi32>
    tpu.vector_store %arg8[%swap3A_60, %swap3A_61], %swap3A_64 {strides = array<i32>} : memref<4x128xi32, #tpu.memory_space<vmem>>, vector<1x16xi32>,
    %get3A_65 = arith.constant 64 : index
    %get3A_66 = tpu.vector_load %arg6[%get3A_65] {strides = array<i32>} : memref<512xi32, #tpu.memory_space<vmem>>, vector<16xi32>,
    %get3A_67 = vector.shape_cast %get3A_66 : vector<16xi32> to vector<16xi32>
    %get3A_68 = arith.constant 64 : index
    %get3A_69 = tpu.vector_load %arg7[%get3A_68] {strides = array<i32>} : memref<512xi32, #tpu.memory_space<vmem>>, vector<16xi32>,
    %get3A_70 = vector.shape_cast %get3A_69 : vector<16xi32> to vector<16xi32>
    %mul3A_71 = arith.constant 1000 : i32
    %mul3A_72 = vector.broadcast %mul3A_71 : i32 to vector<16xi32>
    %mul3A_73 = arith.muli %get3A_67, %mul3A_72 : vector<16xi32>
    %add3A_74 = arith.addi %mul3A_73, %get3A_70 : vector<16xi32>
    %swap3A_75 = arith.constant 0 : i32
    %swap3A_76 = arith.index_cast %swap3A_75 : i32 to index
    %swap3A_77 = arith.constant 64 : index
    %swap3A_78 = tpu.vector_load %arg8[%swap3A_76, %swap3A_77] {strides = array<i32>} : memref<4x128xi32, #tpu.memory_space<vmem>>, vector<1x16xi32>,
    %swap3A_79 = vector.shape_cast %swap3A_78 : vector<1x16xi32> to vector<16xi32>
    %swap3A_80 = vector.shape_cast %add3A_74 : vector<16xi32> to vector<1x16xi32>
    tpu.vector_store %arg8[%swap3A_76, %swap3A_77], %swap3A_80 {strides = array<i32>} : memref<4x128xi32, #tpu.memory_space<vmem>>, vector<1x16xi32>,
    %get3A_81 = arith.constant 80 : index
    %get3A_82 = tpu.vector_load %arg6[%get3A_81] {strides = array<i32>} : memref<512xi32, #tpu.memory_space<vmem>>, vector<16xi32>,
    %get3A_83 = vector.shape_cast %get3A_82 : vector<16xi32> to vector<16xi32>
    %get3A_84 = arith.constant 80 : index
    %get3A_85 = tpu.vector_load %arg7[%get3A_84] {strides = array<i32>} : memref<512xi32, #tpu.memory_space<vmem>>, vector<16xi32>,
    %get3A_86 = vector.shape_cast %get3A_85 : vector<16xi32> to vector<16xi32>
    %mul3A_87 = arith.constant 1000 : i32
    %mul3A_88 = vector.broadcast %mul3A_87 : i32 to vector<16xi32>
    %mul3A_89 = arith.muli %get3A_83, %mul3A_88 : vector<16xi32>
    %add3A_90 = arith.addi %mul3A_89, %get3A_86 : vector<16xi32>
    %swap3A_91 = arith.constant 0 : i32
    %swap3A_92 = arith.index_cast %swap3A_91 : i32 to index
    %swap3A_93 = arith.constant 80 : index
    %swap3A_94 = tpu.vector_load %arg8[%swap3A_92, %swap3A_93] {strides = array<i32>} : memref<4x128xi32, #tpu.memory_space<vmem>>, vector<1x16xi32>,
    %swap3A_95 = vector.shape_cast %swap3A_94 : vector<1x16xi32> to vector<16xi32>
    %swap3A_96 = vector.shape_cast %add3A_90 : vector<16xi32> to vector<1x16xi32>
    tpu.vector_store %arg8[%swap3A_92, %swap3A_93], %swap3A_96 {strides = array<i32>} : memref<4x128xi32, #tpu.memory_space<vmem>>, vector<1x16xi32>,
    %get3A_97 = arith.constant 96 : index
    %get3A_98 = tpu.vector_load %arg6[%get3A_97] {strides = array<i32>} : memref<512xi32, #tpu.memory_space<vmem>>, vector<16xi32>,
    %get3A_99 = vector.shape_cast %get3A_98 : vector<16xi32> to vector<16xi32>
    %get3A_100 = arith.constant 96 : index
    %get3A_101 = tpu.vector_load %arg7[%get3A_100] {strides = array<i32>} : memref<512xi32, #tpu.memory_space<vmem>>, vector<16xi32>,
    %get3A_102 = vector.shape_cast %get3A_101 : vector<16xi32> to vector<16xi32>
    %mul3A_103 = arith.constant 1000 : i32
    %mul3A_104 = vector.broadcast %mul3A_103 : i32 to vector<16xi32>
    %mul3A_105 = arith.muli %get3A_99, %mul3A_104 : vector<16xi32>
    %add3A_106 = arith.addi %mul3A_105, %get3A_102 : vector<16xi32>
    %swap3A_107 = arith.constant 0 : i32
    %swap3A_108 = arith.index_cast %swap3A_107 : i32 to index
    %swap3A_109 = arith.constant 96 : index
    %swap3A_110 = tpu.vector_load %arg8[%swap3A_108, %swap3A_109] {strides = array<i32>} : memref<4x128xi32, #tpu.memory_space<vmem>>, vector<1x16xi32>,
    %swap3A_111 = vector.shape_cast %swap3A_110 : vector<1x16xi32> to vector<16xi32>
    %swap3A_112 = vector.shape_cast %add3A_106 : vector<16xi32> to vector<1x16xi32>
    tpu.vector_store %arg8[%swap3A_108, %swap3A_109], %swap3A_112 {strides = array<i32>} : memref<4x128xi32, #tpu.memory_space<vmem>>, vector<1x16xi32>,
    %get3A_113 = arith.constant 112 : index
    %get3A_114 = tpu.vector_load %arg6[%get3A_113] {strides = array<i32>} : memref<512xi32, #tpu.memory_space<vmem>>, vector<16xi32>,
    %get3A_115 = vector.shape_cast %get3A_114 : vector<16xi32> to vector<16xi32>
    %get3A_116 = arith.constant 112 : index
    %get3A_117 = tpu.vector_load %arg7[%get3A_116] {strides = array<i32>} : memref<512xi32, #tpu.memory_space<vmem>>, vector<16xi32>,
    %get3A_118 = vector.shape_cast %get3A_117 : vector<16xi32> to vector<16xi32>
    %mul3A_119 = arith.constant 1000 : i32
    %mul3A_120 = vector.broadcast %mul3A_119 : i32 to vector<16xi32>
    %mul3A_121 = arith.muli %get3A_115, %mul3A_120 : vector<16xi32>
    %add3A_122 = arith.addi %mul3A_121, %get3A_118 : vector<16xi32>
    %swap3A_123 = arith.constant 0 : i32
    %swap3A_124 = arith.index_cast %swap3A_123 : i32 to index
    %swap3A_125 = arith.constant 112 : index
    %swap3A_126 = tpu.vector_load %arg8[%swap3A_124, %swap3A_125] {strides = array<i32>} : memref<4x128xi32, #tpu.memory_space<vmem>>, vector<1x16xi32>,
    %swap3A_127 = vector.shape_cast %swap3A_126 : vector<1x16xi32> to vector<16xi32>
    %swap3A_128 = vector.shape_cast %add3A_122 : vector<16xi32> to vector<1x16xi32>
    tpu.vector_store %arg8[%swap3A_124, %swap3A_125], %swap3A_128 {strides = array<i32>} : memref<4x128xi32, #tpu.memory_space<vmem>>, vector<1x16xi32>,
    %get3A_129 = arith.constant 128 : index
    %get3A_130 = tpu.vector_load %arg6[%get3A_129] {strides = array<i32>} : memref<512xi32, #tpu.memory_space<vmem>>, vector<16xi32>,
    %get3A_131 = vector.shape_cast %get3A_130 : vector<16xi32> to vector<16xi32>
    %get3A_132 = arith.constant 128 : index
    %get3A_133 = tpu.vector_load %arg7[%get3A_132] {strides = array<i32>} : memref<512xi32, #tpu.memory_space<vmem>>, vector<16xi32>,
    %get3A_134 = vector.shape_cast %get3A_133 : vector<16xi32> to vector<16xi32>
    %mul3A_135 = arith.constant 1000 : i32
    %mul3A_136 = vector.broadcast %mul3A_135 : i32 to vector<16xi32>
    %mul3A_137 = arith.muli %get3A_131, %mul3A_136 : vector<16xi32>
    %add3A_138 = arith.addi %mul3A_137, %get3A_134 : vector<16xi32>
    %swap3A_139 = arith.constant 1 : i32
    %swap3A_140 = arith.index_cast %swap3A_139 : i32 to index
    %swap3A_141 = arith.constant 0 : index
    %swap3A_142 = tpu.vector_load %arg8[%swap3A_140, %swap3A_141] {strides = array<i32>} : memref<4x128xi32, #tpu.memory_space<vmem>>, vector<1x16xi32>,
    %swap3A_143 = vector.shape_cast %swap3A_142 : vector<1x16xi32> to vector<16xi32>
    %swap3A_144 = vector.shape_cast %add3A_138 : vector<16xi32> to vector<1x16xi32>
    tpu.vector_store %arg8[%swap3A_140, %swap3A_141], %swap3A_144 {strides = array<i32>} : memref<4x128xi32, #tpu.memory_space<vmem>>, vector<1x16xi32>,
    %get3A_145 = arith.constant 144 : index
    %get3A_146 = tpu.vector_load %arg6[%get3A_145] {strides = array<i32>} : memref<512xi32, #tpu.memory_space<vmem>>, vector<16xi32>,
    %get3A_147 = vector.shape_cast %get3A_146 : vector<16xi32> to vector<16xi32>
    %get3A_148 = arith.constant 144 : index
    %get3A_149 = tpu.vector_load %arg7[%get3A_148] {strides = array<i32>} : memref<512xi32, #tpu.memory_space<vmem>>, vector<16xi32>,
    %get3A_150 = vector.shape_cast %get3A_149 : vector<16xi32> to vector<16xi32>
    %mul3A_151 = arith.constant 1000 : i32
    %mul3A_152 = vector.broadcast %mul3A_151 : i32 to vector<16xi32>
    %mul3A_153 = arith.muli %get3A_147, %mul3A_152 : vector<16xi32>
    %add3A_154 = arith.addi %mul3A_153, %get3A_150 : vector<16xi32>
    %swap3A_155 = arith.constant 1 : i32
    %swap3A_156 = arith.index_cast %swap3A_155 : i32 to index
    %swap3A_157 = arith.constant 16 : index
    %swap3A_158 = tpu.vector_load %arg8[%swap3A_156, %swap3A_157] {strides = array<i32>} : memref<4x128xi32, #tpu.memory_space<vmem>>, vector<1x16xi32>,
    %swap3A_159 = vector.shape_cast %swap3A_158 : vector<1x16xi32> to vector<16xi32>
    %swap3A_160 = vector.shape_cast %add3A_154 : vector<16xi32> to vector<1x16xi32>
    tpu.vector_store %arg8[%swap3A_156, %swap3A_157], %swap3A_160 {strides = array<i32>} : memref<4x128xi32, #tpu.memory_space<vmem>>, vector<1x16xi32>,
    %get3A_161 = arith.constant 160 : index
    %get3A_162 = tpu.vector_load %arg6[%get3A_161] {strides = array<i32>} : memref<512xi32, #tpu.memory_space<vmem>>, vector<16xi32>,
    %get3A_163 = vector.shape_cast %get3A_162 : vector<16xi32> to vector<16xi32>
    %get3A_164 = arith.constant 160 : index
    %get3A_165 = tpu.vector_load %arg7[%get3A_164] {strides = array<i32>} : memref<512xi32, #tpu.memory_space<vmem>>, vector<16xi32>,
    %get3A_166 = vector.shape_cast %get3A_165 : vector<16xi32> to vector<16xi32>
    %mul3A_167 = arith.constant 1000 : i32
    %mul3A_168 = vector.broadcast %mul3A_167 : i32 to vector<16xi32>
    %mul3A_169 = arith.muli %get3A_163, %mul3A_168 : vector<16xi32>
    %add3A_170 = arith.addi %mul3A_169, %get3A_166 : vector<16xi32>
    %swap3A_171 = arith.constant 1 : i32
    %swap3A_172 = arith.index_cast %swap3A_171 : i32 to index
    %swap3A_173 = arith.constant 32 : index
    %swap3A_174 = tpu.vector_load %arg8[%swap3A_172, %swap3A_173] {strides = array<i32>} : memref<4x128xi32, #tpu.memory_space<vmem>>, vector<1x16xi32>,
    %swap3A_175 = vector.shape_cast %swap3A_174 : vector<1x16xi32> to vector<16xi32>
    %swap3A_176 = vector.shape_cast %add3A_170 : vector<16xi32> to vector<1x16xi32>
    tpu.vector_store %arg8[%swap3A_172, %swap3A_173], %swap3A_176 {strides = array<i32>} : memref<4x128xi32, #tpu.memory_space<vmem>>, vector<1x16xi32>,
    %get3A_177 = arith.constant 176 : index
    %get3A_178 = tpu.vector_load %arg6[%get3A_177] {strides = array<i32>} : memref<512xi32, #tpu.memory_space<vmem>>, vector<16xi32>,
    %get3A_179 = vector.shape_cast %get3A_178 : vector<16xi32> to vector<16xi32>
    %get3A_180 = arith.constant 176 : index
    %get3A_181 = tpu.vector_load %arg7[%get3A_180] {strides = array<i32>} : memref<512xi32, #tpu.memory_space<vmem>>, vector<16xi32>,
    %get3A_182 = vector.shape_cast %get3A_181 : vector<16xi32> to vector<16xi32>
    %mul3A_183 = arith.constant 1000 : i32
    %mul3A_184 = vector.broadcast %mul3A_183 : i32 to vector<16xi32>
    %mul3A_185 = arith.muli %get3A_179, %mul3A_184 : vector<16xi32>
    %add3A_186 = arith.addi %mul3A_185, %get3A_182 : vector<16xi32>
    %swap3A_187 = arith.constant 1 : i32
    %swap3A_188 = arith.index_cast %swap3A_187 : i32 to index
    %swap3A_189 = arith.constant 48 : index
    %swap3A_190 = tpu.vector_load %arg8[%swap3A_188, %swap3A_189] {strides = array<i32>} : memref<4x128xi32, #tpu.memory_space<vmem>>, vector<1x16xi32>,
    %swap3A_191 = vector.shape_cast %swap3A_190 : vector<1x16xi32> to vector<16xi32>
    %swap3A_192 = vector.shape_cast %add3A_186 : vector<16xi32> to vector<1x16xi32>
    tpu.vector_store %arg8[%swap3A_188, %swap3A_189], %swap3A_192 {strides = array<i32>} : memref<4x128xi32, #tpu.memory_space<vmem>>, vector<1x16xi32>,
    %get3A_193 = arith.constant 192 : index
    %get3A_194 = tpu.vector_load %arg6[%get3A_193] {strides = array<i32>} : memref<512xi32, #tpu.memory_space<vmem>>, vector<16xi32>,
    %get3A_195 = vector.shape_cast %get3A_194 : vector<16xi32> to vector<16xi32>
    %get3A_196 = arith.constant 192 : index
    %get3A_197 = tpu.vector_load %arg7[%get3A_196] {strides = array<i32>} : memref<512xi32, #tpu.memory_space<vmem>>, vector<16xi32>,
    %get3A_198 = vector.shape_cast %get3A_197 : vector<16xi32> to vector<16xi32>
    %mul3A_199 = arith.constant 1000 : i32
    %mul3A_200 = vector.broadcast %mul3A_199 : i32 to vector<16xi32>
    %mul3A_201 = arith.muli %get3A_195, %mul3A_200 : vector<16xi32>
    %add3A_202 = arith.addi %mul3A_201, %get3A_198 : vector<16xi32>
    %swap3A_203 = arith.constant 1 : i32
    %swap3A_204 = arith.index_cast %swap3A_203 : i32 to index
    %swap3A_205 = arith.constant 64 : index
    %swap3A_206 = tpu.vector_load %arg8[%swap3A_204, %swap3A_205] {strides = array<i32>} : memref<4x128xi32, #tpu.memory_space<vmem>>, vector<1x16xi32>,
    %swap3A_207 = vector.shape_cast %swap3A_206 : vector<1x16xi32> to vector<16xi32>
    %swap3A_208 = vector.shape_cast %add3A_202 : vector<16xi32> to vector<1x16xi32>
    tpu.vector_store %arg8[%swap3A_204, %swap3A_205], %swap3A_208 {strides = array<i32>} : memref<4x128xi32, #tpu.memory_space<vmem>>, vector<1x16xi32>,
    %get3A_209 = arith.constant 208 : index
    %get3A_210 = tpu.vector_load %arg6[%get3A_209] {strides = array<i32>} : memref<512xi32, #tpu.memory_space<vmem>>, vector<16xi32>,
    %get3A_211 = vector.shape_cast %get3A_210 : vector<16xi32> to vector<16xi32>
    %get3A_212 = arith.constant 208 : index
    %get3A_213 = tpu.vector_load %arg7[%get3A_212] {strides = array<i32>} : memref<512xi32, #tpu.memory_space<vmem>>, vector<16xi32>,
    %get3A_214 = vector.shape_cast %get3A_213 : vector<16xi32> to vector<16xi32>
    %mul3A_215 = arith.constant 1000 : i32
    %mul3A_216 = vector.broadcast %mul3A_215 : i32 to vector<16xi32>
    %mul3A_217 = arith.muli %get3A_211, %mul3A_216 : vector<16xi32>
    %add3A_218 = arith.addi %mul3A_217, %get3A_214 : vector<16xi32>
    %swap3A_219 = arith.constant 1 : i32
    %swap3A_220 = arith.index_cast %swap3A_219 : i32 to index
    %swap3A_221 = arith.constant 80 : index
    %swap3A_222 = tpu.vector_load %arg8[%swap3A_220, %swap3A_221] {strides = array<i32>} : memref<4x128xi32, #tpu.memory_space<vmem>>, vector<1x16xi32>,
    %swap3A_223 = vector.shape_cast %swap3A_222 : vector<1x16xi32> to vector<16xi32>
    %swap3A_224 = vector.shape_cast %add3A_218 : vector<16xi32> to vector<1x16xi32>
    tpu.vector_store %arg8[%swap3A_220, %swap3A_221], %swap3A_224 {strides = array<i32>} : memref<4x128xi32, #tpu.memory_space<vmem>>, vector<1x16xi32>,
    %get3A_225 = arith.constant 224 : index
    %get3A_226 = tpu.vector_load %arg6[%get3A_225] {strides = array<i32>} : memref<512xi32, #tpu.memory_space<vmem>>, vector<16xi32>,
    %get3A_227 = vector.shape_cast %get3A_226 : vector<16xi32> to vector<16xi32>
    %get3A_228 = arith.constant 224 : index
    %get3A_229 = tpu.vector_load %arg7[%get3A_228] {strides = array<i32>} : memref<512xi32, #tpu.memory_space<vmem>>, vector<16xi32>,
    %get3A_230 = vector.shape_cast %get3A_229 : vector<16xi32> to vector<16xi32>
    %mul3A_231 = arith.constant 1000 : i32
    %mul3A_232 = vector.broadcast %mul3A_231 : i32 to vector<16xi32>
    %mul3A_233 = arith.muli %get3A_227, %mul3A_232 : vector<16xi32>
    %add3A_234 = arith.addi %mul3A_233, %get3A_230 : vector<16xi32>
    %swap3A_235 = arith.constant 1 : i32
    %swap3A_236 = arith.index_cast %swap3A_235 : i32 to index
    %swap3A_237 = arith.constant 96 : index
    %swap3A_238 = tpu.vector_load %arg8[%swap3A_236, %swap3A_237] {strides = array<i32>} : memref<4x128xi32, #tpu.memory_space<vmem>>, vector<1x16xi32>,
    %swap3A_239 = vector.shape_cast %swap3A_238 : vector<1x16xi32> to vector<16xi32>
    %swap3A_240 = vector.shape_cast %add3A_234 : vector<16xi32> to vector<1x16xi32>
    tpu.vector_store %arg8[%swap3A_236, %swap3A_237], %swap3A_240 {strides = array<i32>} : memref<4x128xi32, #tpu.memory_space<vmem>>, vector<1x16xi32>,
    %get3A_241 = arith.constant 240 : index
    %get3A_242 = tpu.vector_load %arg6[%get3A_241] {strides = array<i32>} : memref<512xi32, #tpu.memory_space<vmem>>, vector<16xi32>,
    %get3A_243 = vector.shape_cast %get3A_242 : vector<16xi32> to vector<16xi32>
    %get3A_244 = arith.constant 240 : index
    %get3A_245 = tpu.vector_load %arg7[%get3A_244] {strides = array<i32>} : memref<512xi32, #tpu.memory_space<vmem>>, vector<16xi32>,
    %get3A_246 = vector.shape_cast %get3A_245 : vector<16xi32> to vector<16xi32>
    %mul3A_247 = arith.constant 1000 : i32
    %mul3A_248 = vector.broadcast %mul3A_247 : i32 to vector<16xi32>
    %mul3A_249 = arith.muli %get3A_243, %mul3A_248 : vector<16xi32>
    %add3A_250 = arith.addi %mul3A_249, %get3A_246 : vector<16xi32>
    %swap3A_251 = arith.constant 1 : i32
    %swap3A_252 = arith.index_cast %swap3A_251 : i32 to index
    %swap3A_253 = arith.constant 112 : index
    %swap3A_254 = tpu.vector_load %arg8[%swap3A_252, %swap3A_253] {strides = array<i32>} : memref<4x128xi32, #tpu.memory_space<vmem>>, vector<1x16xi32>,
    %swap3A_255 = vector.shape_cast %swap3A_254 : vector<1x16xi32> to vector<16xi32>
    %swap3A_256 = vector.shape_cast %add3A_250 : vector<16xi32> to vector<1x16xi32>
    tpu.vector_store %arg8[%swap3A_252, %swap3A_253], %swap3A_256 {strides = array<i32>} : memref<4x128xi32, #tpu.memory_space<vmem>>, vector<1x16xi32>,
    %get3A_257 = arith.constant 256 : index
    %get3A_258 = tpu.vector_load %arg6[%get3A_257] {strides = array<i32>} : memref<512xi32, #tpu.memory_space<vmem>>, vector<16xi32>,
    %get3A_259 = vector.shape_cast %get3A_258 : vector<16xi32> to vector<16xi32>
    %get3A_260 = arith.constant 256 : index
    %get3A_261 = tpu.vector_load %arg7[%get3A_260] {strides = array<i32>} : memref<512xi32, #tpu.memory_space<vmem>>, vector<16xi32>,
    %get3A_262 = vector.shape_cast %get3A_261 : vector<16xi32> to vector<16xi32>
    %mul3A_263 = arith.constant 1000 : i32
    %mul3A_264 = vector.broadcast %mul3A_263 : i32 to vector<16xi32>
    %mul3A_265 = arith.muli %get3A_259, %mul3A_264 : vector<16xi32>
    %add3A_266 = arith.addi %mul3A_265, %get3A_262 : vector<16xi32>
    %swap3A_267 = arith.constant 2 : i32
    %swap3A_268 = arith.index_cast %swap3A_267 : i32 to index
    %swap3A_269 = arith.constant 0 : index
    %swap3A_270 = tpu.vector_load %arg8[%swap3A_268, %swap3A_269] {strides = array<i32>} : memref<4x128xi32, #tpu.memory_space<vmem>>, vector<1x16xi32>,
    %swap3A_271 = vector.shape_cast %swap3A_270 : vector<1x16xi32> to vector<16xi32>
    %swap3A_272 = vector.shape_cast %add3A_266 : vector<16xi32> to vector<1x16xi32>
    tpu.vector_store %arg8[%swap3A_268, %swap3A_269], %swap3A_272 {strides = array<i32>} : memref<4x128xi32, #tpu.memory_space<vmem>>, vector<1x16xi32>,
    %get3A_273 = arith.constant 272 : index
    %get3A_274 = tpu.vector_load %arg6[%get3A_273] {strides = array<i32>} : memref<512xi32, #tpu.memory_space<vmem>>, vector<16xi32>,
    %get3A_275 = vector.shape_cast %get3A_274 : vector<16xi32> to vector<16xi32>
    %get3A_276 = arith.constant 272 : index
    %get3A_277 = tpu.vector_load %arg7[%get3A_276] {strides = array<i32>} : memref<512xi32, #tpu.memory_space<vmem>>, vector<16xi32>,
    %get3A_278 = vector.shape_cast %get3A_277 : vector<16xi32> to vector<16xi32>
    %mul3A_279 = arith.constant 1000 : i32
    %mul3A_280 = vector.broadcast %mul3A_279 : i32 to vector<16xi32>
    %mul3A_281 = arith.muli %get3A_275, %mul3A_280 : vector<16xi32>
    %add3A_282 = arith.addi %mul3A_281, %get3A_278 : vector<16xi32>
    %swap3A_283 = arith.constant 2 : i32
    %swap3A_284 = arith.index_cast %swap3A_283 : i32 to index
    %swap3A_285 = arith.constant 16 : index
    %swap3A_286 = tpu.vector_load %arg8[%swap3A_284, %swap3A_285] {strides = array<i32>} : memref<4x128xi32, #tpu.memory_space<vmem>>, vector<1x16xi32>,
    %swap3A_287 = vector.shape_cast %swap3A_286 : vector<1x16xi32> to vector<16xi32>
    %swap3A_288 = vector.shape_cast %add3A_282 : vector<16xi32> to vector<1x16xi32>
    tpu.vector_store %arg8[%swap3A_284, %swap3A_285], %swap3A_288 {strides = array<i32>} : memref<4x128xi32, #tpu.memory_space<vmem>>, vector<1x16xi32>,
    %get3A_289 = arith.constant 288 : index
    %get3A_290 = tpu.vector_load %arg6[%get3A_289] {strides = array<i32>} : memref<512xi32, #tpu.memory_space<vmem>>, vector<16xi32>,
    %get3A_291 = vector.shape_cast %get3A_290 : vector<16xi32> to vector<16xi32>
    %get3A_292 = arith.constant 288 : index
    %get3A_293 = tpu.vector_load %arg7[%get3A_292] {strides = array<i32>} : memref<512xi32, #tpu.memory_space<vmem>>, vector<16xi32>,
    %get3A_294 = vector.shape_cast %get3A_293 : vector<16xi32> to vector<16xi32>
    %mul3A_295 = arith.constant 1000 : i32
    %mul3A_296 = vector.broadcast %mul3A_295 : i32 to vector<16xi32>
    %mul3A_297 = arith.muli %get3A_291, %mul3A_296 : vector<16xi32>
    %add3A_298 = arith.addi %mul3A_297, %get3A_294 : vector<16xi32>
    %swap3A_299 = arith.constant 2 : i32
    %swap3A_300 = arith.index_cast %swap3A_299 : i32 to index
    %swap3A_301 = arith.constant 32 : index
    %swap3A_302 = tpu.vector_load %arg8[%swap3A_300, %swap3A_301] {strides = array<i32>} : memref<4x128xi32, #tpu.memory_space<vmem>>, vector<1x16xi32>,
    %swap3A_303 = vector.shape_cast %swap3A_302 : vector<1x16xi32> to vector<16xi32>
    %swap3A_304 = vector.shape_cast %add3A_298 : vector<16xi32> to vector<1x16xi32>
    tpu.vector_store %arg8[%swap3A_300, %swap3A_301], %swap3A_304 {strides = array<i32>} : memref<4x128xi32, #tpu.memory_space<vmem>>, vector<1x16xi32>,
    %get3A_305 = arith.constant 304 : index
    %get3A_306 = tpu.vector_load %arg6[%get3A_305] {strides = array<i32>} : memref<512xi32, #tpu.memory_space<vmem>>, vector<16xi32>,
    %get3A_307 = vector.shape_cast %get3A_306 : vector<16xi32> to vector<16xi32>
    %get3A_308 = arith.constant 304 : index
    %get3A_309 = tpu.vector_load %arg7[%get3A_308] {strides = array<i32>} : memref<512xi32, #tpu.memory_space<vmem>>, vector<16xi32>,
    %get3A_310 = vector.shape_cast %get3A_309 : vector<16xi32> to vector<16xi32>
    %mul3A_311 = arith.constant 1000 : i32
    %mul3A_312 = vector.broadcast %mul3A_311 : i32 to vector<16xi32>
    %mul3A_313 = arith.muli %get3A_307, %mul3A_312 : vector<16xi32>
    %add3A_314 = arith.addi %mul3A_313, %get3A_310 : vector<16xi32>
    %swap3A_315 = arith.constant 2 : i32
    %swap3A_316 = arith.index_cast %swap3A_315 : i32 to index
    %swap3A_317 = arith.constant 48 : index
    %swap3A_318 = tpu.vector_load %arg8[%swap3A_316, %swap3A_317] {strides = array<i32>} : memref<4x128xi32, #tpu.memory_space<vmem>>, vector<1x16xi32>,
    %swap3A_319 = vector.shape_cast %swap3A_318 : vector<1x16xi32> to vector<16xi32>
    %swap3A_320 = vector.shape_cast %add3A_314 : vector<16xi32> to vector<1x16xi32>
    tpu.vector_store %arg8[%swap3A_316, %swap3A_317], %swap3A_320 {strides = array<i32>} : memref<4x128xi32, #tpu.memory_space<vmem>>, vector<1x16xi32>,
    %get3A_321 = arith.constant 320 : index
    %get3A_322 = tpu.vector_load %arg6[%get3A_321] {strides = array<i32>} : memref<512xi32, #tpu.memory_space<vmem>>, vector<16xi32>,
    %get3A_323 = vector.shape_cast %get3A_322 : vector<16xi32> to vector<16xi32>
    %get3A_324 = arith.constant 320 : index
    %get3A_325 = tpu.vector_load %arg7[%get3A_324] {strides = array<i32>} : memref<512xi32, #tpu.memory_space<vmem>>, vector<16xi32>,
    %get3A_326 = vector.shape_cast %get3A_325 : vector<16xi32> to vector<16xi32>
    %mul3A_327 = arith.constant 1000 : i32
    %mul3A_328 = vector.broadcast %mul3A_327 : i32 to vector<16xi32>
    %mul3A_329 = arith.muli %get3A_323, %mul3A_328 : vector<16xi32>
    %add3A_330 = arith.addi %mul3A_329, %get3A_326 : vector<16xi32>
    %swap3A_331 = arith.constant 2 : i32
    %swap3A_332 = arith.index_cast %swap3A_331 : i32 to index
    %swap3A_333 = arith.constant 64 : index
    %swap3A_334 = tpu.vector_load %arg8[%swap3A_332, %swap3A_333] {strides = array<i32>} : memref<4x128xi32, #tpu.memory_space<vmem>>, vector<1x16xi32>,
    %swap3A_335 = vector.shape_cast %swap3A_334 : vector<1x16xi32> to vector<16xi32>
    %swap3A_336 = vector.shape_cast %add3A_330 : vector<16xi32> to vector<1x16xi32>
    tpu.vector_store %arg8[%swap3A_332, %swap3A_333], %swap3A_336 {strides = array<i32>} : memref<4x128xi32, #tpu.memory_space<vmem>>, vector<1x16xi32>,
    %get3A_337 = arith.constant 336 : index
    %get3A_338 = tpu.vector_load %arg6[%get3A_337] {strides = array<i32>} : memref<512xi32, #tpu.memory_space<vmem>>, vector<16xi32>,
    %get3A_339 = vector.shape_cast %get3A_338 : vector<16xi32> to vector<16xi32>
    %get3A_340 = arith.constant 336 : index
    %get3A_341 = tpu.vector_load %arg7[%get3A_340] {strides = array<i32>} : memref<512xi32, #tpu.memory_space<vmem>>, vector<16xi32>,
    %get3A_342 = vector.shape_cast %get3A_341 : vector<16xi32> to vector<16xi32>
    %mul3A_343 = arith.constant 1000 : i32
    %mul3A_344 = vector.broadcast %mul3A_343 : i32 to vector<16xi32>
    %mul3A_345 = arith.muli %get3A_339, %mul3A_344 : vector<16xi32>
    %add3A_346 = arith.addi %mul3A_345, %get3A_342 : vector<16xi32>
    %swap3A_347 = arith.constant 2 : i32
    %swap3A_348 = arith.index_cast %swap3A_347 : i32 to index
    %swap3A_349 = arith.constant 80 : index
    %swap3A_350 = tpu.vector_load %arg8[%swap3A_348, %swap3A_349] {strides = array<i32>} : memref<4x128xi32, #tpu.memory_space<vmem>>, vector<1x16xi32>,
    %swap3A_351 = vector.shape_cast %swap3A_350 : vector<1x16xi32> to vector<16xi32>
    %swap3A_352 = vector.shape_cast %add3A_346 : vector<16xi32> to vector<1x16xi32>
    tpu.vector_store %arg8[%swap3A_348, %swap3A_349], %swap3A_352 {strides = array<i32>} : memref<4x128xi32, #tpu.memory_space<vmem>>, vector<1x16xi32>,
    %get3A_353 = arith.constant 352 : index
    %get3A_354 = tpu.vector_load %arg6[%get3A_353] {strides = array<i32>} : memref<512xi32, #tpu.memory_space<vmem>>, vector<16xi32>,
    %get3A_355 = vector.shape_cast %get3A_354 : vector<16xi32> to vector<16xi32>
    %get3A_356 = arith.constant 352 : index
    %get3A_357 = tpu.vector_load %arg7[%get3A_356] {strides = array<i32>} : memref<512xi32, #tpu.memory_space<vmem>>, vector<16xi32>,
    %get3A_358 = vector.shape_cast %get3A_357 : vector<16xi32> to vector<16xi32>
    %mul3A_359 = arith.constant 1000 : i32
    %mul3A_360 = vector.broadcast %mul3A_359 : i32 to vector<16xi32>
    %mul3A_361 = arith.muli %get3A_355, %mul3A_360 : vector<16xi32>
    %add3A_362 = arith.addi %mul3A_361, %get3A_358 : vector<16xi32>
    %swap3A_363 = arith.constant 2 : i32
    %swap3A_364 = arith.index_cast %swap3A_363 : i32 to index
    %swap3A_365 = arith.constant 96 : index
    %swap3A_366 = tpu.vector_load %arg8[%swap3A_364, %swap3A_365] {strides = array<i32>} : memref<4x128xi32, #tpu.memory_space<vmem>>, vector<1x16xi32>,
    %swap3A_367 = vector.shape_cast %swap3A_366 : vector<1x16xi32> to vector<16xi32>
    %swap3A_368 = vector.shape_cast %add3A_362 : vector<16xi32> to vector<1x16xi32>
    tpu.vector_store %arg8[%swap3A_364, %swap3A_365], %swap3A_368 {strides = array<i32>} : memref<4x128xi32, #tpu.memory_space<vmem>>, vector<1x16xi32>,
    %get3A_369 = arith.constant 368 : index
    %get3A_370 = tpu.vector_load %arg6[%get3A_369] {strides = array<i32>} : memref<512xi32, #tpu.memory_space<vmem>>, vector<16xi32>,
    %get3A_371 = vector.shape_cast %get3A_370 : vector<16xi32> to vector<16xi32>
    %get3A_372 = arith.constant 368 : index
    %get3A_373 = tpu.vector_load %arg7[%get3A_372] {strides = array<i32>} : memref<512xi32, #tpu.memory_space<vmem>>, vector<16xi32>,
    %get3A_374 = vector.shape_cast %get3A_373 : vector<16xi32> to vector<16xi32>
    %mul3A_375 = arith.constant 1000 : i32
    %mul3A_376 = vector.broadcast %mul3A_375 : i32 to vector<16xi32>
    %mul3A_377 = arith.muli %get3A_371, %mul3A_376 : vector<16xi32>
    %add3A_378 = arith.addi %mul3A_377, %get3A_374 : vector<16xi32>
    %swap3A_379 = arith.constant 2 : i32
    %swap3A_380 = arith.index_cast %swap3A_379 : i32 to index
    %swap3A_381 = arith.constant 112 : index
    %swap3A_382 = tpu.vector_load %arg8[%swap3A_380, %swap3A_381] {strides = array<i32>} : memref<4x128xi32, #tpu.memory_space<vmem>>, vector<1x16xi32>,
    %swap3A_383 = vector.shape_cast %swap3A_382 : vector<1x16xi32> to vector<16xi32>
    %swap3A_384 = vector.shape_cast %add3A_378 : vector<16xi32> to vector<1x16xi32>
    tpu.vector_store %arg8[%swap3A_380, %swap3A_381], %swap3A_384 {strides = array<i32>} : memref<4x128xi32, #tpu.memory_space<vmem>>, vector<1x16xi32>,
    %get3A_385 = arith.constant 384 : index
    %get3A_386 = tpu.vector_load %arg6[%get3A_385] {strides = array<i32>} : memref<512xi32, #tpu.memory_space<vmem>>, vector<16xi32>,
    %get3A_387 = vector.shape_cast %get3A_386 : vector<16xi32> to vector<16xi32>
    %get3A_388 = arith.constant 384 : index
    %get3A_389 = tpu.vector_load %arg7[%get3A_388] {strides = array<i32>} : memref<512xi32, #tpu.memory_space<vmem>>, vector<16xi32>,
    %get3A_390 = vector.shape_cast %get3A_389 : vector<16xi32> to vector<16xi32>
    %mul3A_391 = arith.constant 1000 : i32
    %mul3A_392 = vector.broadcast %mul3A_391 : i32 to vector<16xi32>
    %mul3A_393 = arith.muli %get3A_387, %mul3A_392 : vector<16xi32>
    %add3A_394 = arith.addi %mul3A_393, %get3A_390 : vector<16xi32>
    %swap3A_395 = arith.constant 3 : i32
    %swap3A_396 = arith.index_cast %swap3A_395 : i32 to index
    %swap3A_397 = arith.constant 0 : index
    %swap3A_398 = tpu.vector_load %arg8[%swap3A_396, %swap3A_397] {strides = array<i32>} : memref<4x128xi32, #tpu.memory_space<vmem>>, vector<1x16xi32>,
    %swap3A_399 = vector.shape_cast %swap3A_398 : vector<1x16xi32> to vector<16xi32>
    %swap3A_400 = vector.shape_cast %add3A_394 : vector<16xi32> to vector<1x16xi32>
    tpu.vector_store %arg8[%swap3A_396, %swap3A_397], %swap3A_400 {strides = array<i32>} : memref<4x128xi32, #tpu.memory_space<vmem>>, vector<1x16xi32>,
    %get3A_401 = arith.constant 400 : index
    %get3A_402 = tpu.vector_load %arg6[%get3A_401] {strides = array<i32>} : memref<512xi32, #tpu.memory_space<vmem>>, vector<16xi32>,
    %get3A_403 = vector.shape_cast %get3A_402 : vector<16xi32> to vector<16xi32>
    %get3A_404 = arith.constant 400 : index
    %get3A_405 = tpu.vector_load %arg7[%get3A_404] {strides = array<i32>} : memref<512xi32, #tpu.memory_space<vmem>>, vector<16xi32>,
    %get3A_406 = vector.shape_cast %get3A_405 : vector<16xi32> to vector<16xi32>
    %mul3A_407 = arith.constant 1000 : i32
    %mul3A_408 = vector.broadcast %mul3A_407 : i32 to vector<16xi32>
    %mul3A_409 = arith.muli %get3A_403, %mul3A_408 : vector<16xi32>
    %add3A_410 = arith.addi %mul3A_409, %get3A_406 : vector<16xi32>
    %swap3A_411 = arith.constant 3 : i32
    %swap3A_412 = arith.index_cast %swap3A_411 : i32 to index
    %swap3A_413 = arith.constant 16 : index
    %swap3A_414 = tpu.vector_load %arg8[%swap3A_412, %swap3A_413] {strides = array<i32>} : memref<4x128xi32, #tpu.memory_space<vmem>>, vector<1x16xi32>,
    %swap3A_415 = vector.shape_cast %swap3A_414 : vector<1x16xi32> to vector<16xi32>
    %swap3A_416 = vector.shape_cast %add3A_410 : vector<16xi32> to vector<1x16xi32>
    tpu.vector_store %arg8[%swap3A_412, %swap3A_413], %swap3A_416 {strides = array<i32>} : memref<4x128xi32, #tpu.memory_space<vmem>>, vector<1x16xi32>,
    %get3A_417 = arith.constant 416 : index
    %get3A_418 = tpu.vector_load %arg6[%get3A_417] {strides = array<i32>} : memref<512xi32, #tpu.memory_space<vmem>>, vector<16xi32>,
    %get3A_419 = vector.shape_cast %get3A_418 : vector<16xi32> to vector<16xi32>
    %get3A_420 = arith.constant 416 : index
    %get3A_421 = tpu.vector_load %arg7[%get3A_420] {strides = array<i32>} : memref<512xi32, #tpu.memory_space<vmem>>, vector<16xi32>,
    %get3A_422 = vector.shape_cast %get3A_421 : vector<16xi32> to vector<16xi32>
    %mul3A_423 = arith.constant 1000 : i32
    %mul3A_424 = vector.broadcast %mul3A_423 : i32 to vector<16xi32>
    %mul3A_425 = arith.muli %get3A_419, %mul3A_424 : vector<16xi32>
    %add3A_426 = arith.addi %mul3A_425, %get3A_422 : vector<16xi32>
    %swap3A_427 = arith.constant 3 : i32
    %swap3A_428 = arith.index_cast %swap3A_427 : i32 to index
    %swap3A_429 = arith.constant 32 : index
    %swap3A_430 = tpu.vector_load %arg8[%swap3A_428, %swap3A_429] {strides = array<i32>} : memref<4x128xi32, #tpu.memory_space<vmem>>, vector<1x16xi32>,
    %swap3A_431 = vector.shape_cast %swap3A_430 : vector<1x16xi32> to vector<16xi32>
    %swap3A_432 = vector.shape_cast %add3A_426 : vector<16xi32> to vector<1x16xi32>
    tpu.vector_store %arg8[%swap3A_428, %swap3A_429], %swap3A_432 {strides = array<i32>} : memref<4x128xi32, #tpu.memory_space<vmem>>, vector<1x16xi32>,
    %get3A_433 = arith.constant 432 : index
    %get3A_434 = tpu.vector_load %arg6[%get3A_433] {strides = array<i32>} : memref<512xi32, #tpu.memory_space<vmem>>, vector<16xi32>,
    %get3A_435 = vector.shape_cast %get3A_434 : vector<16xi32> to vector<16xi32>
    %get3A_436 = arith.constant 432 : index
    %get3A_437 = tpu.vector_load %arg7[%get3A_436] {strides = array<i32>} : memref<512xi32, #tpu.memory_space<vmem>>, vector<16xi32>,
    %get3A_438 = vector.shape_cast %get3A_437 : vector<16xi32> to vector<16xi32>
    %mul3A_439 = arith.constant 1000 : i32
    %mul3A_440 = vector.broadcast %mul3A_439 : i32 to vector<16xi32>
    %mul3A_441 = arith.muli %get3A_435, %mul3A_440 : vector<16xi32>
    %add3A_442 = arith.addi %mul3A_441, %get3A_438 : vector<16xi32>
    %swap3A_443 = arith.constant 3 : i32
    %swap3A_444 = arith.index_cast %swap3A_443 : i32 to index
    %swap3A_445 = arith.constant 48 : index
    %swap3A_446 = tpu.vector_load %arg8[%swap3A_444, %swap3A_445] {strides = array<i32>} : memref<4x128xi32, #tpu.memory_space<vmem>>, vector<1x16xi32>,
    %swap3A_447 = vector.shape_cast %swap3A_446 : vector<1x16xi32> to vector<16xi32>
    %swap3A_448 = vector.shape_cast %add3A_442 : vector<16xi32> to vector<1x16xi32>
    tpu.vector_store %arg8[%swap3A_444, %swap3A_445], %swap3A_448 {strides = array<i32>} : memref<4x128xi32, #tpu.memory_space<vmem>>, vector<1x16xi32>,
    %get3A_449 = arith.constant 448 : index
    %get3A_450 = tpu.vector_load %arg6[%get3A_449] {strides = array<i32>} : memref<512xi32, #tpu.memory_space<vmem>>, vector<16xi32>,
    %get3A_451 = vector.shape_cast %get3A_450 : vector<16xi32> to vector<16xi32>
    %get3A_452 = arith.constant 448 : index
    %get3A_453 = tpu.vector_load %arg7[%get3A_452] {strides = array<i32>} : memref<512xi32, #tpu.memory_space<vmem>>, vector<16xi32>,
    %get3A_454 = vector.shape_cast %get3A_453 : vector<16xi32> to vector<16xi32>
    %mul3A_455 = arith.constant 1000 : i32
    %mul3A_456 = vector.broadcast %mul3A_455 : i32 to vector<16xi32>
    %mul3A_457 = arith.muli %get3A_451, %mul3A_456 : vector<16xi32>
    %add3A_458 = arith.addi %mul3A_457, %get3A_454 : vector<16xi32>
    %swap3A_459 = arith.constant 3 : i32
    %swap3A_460 = arith.index_cast %swap3A_459 : i32 to index
    %swap3A_461 = arith.constant 64 : index
    %swap3A_462 = tpu.vector_load %arg8[%swap3A_460, %swap3A_461] {strides = array<i32>} : memref<4x128xi32, #tpu.memory_space<vmem>>, vector<1x16xi32>,
    %swap3A_463 = vector.shape_cast %swap3A_462 : vector<1x16xi32> to vector<16xi32>
    %swap3A_464 = vector.shape_cast %add3A_458 : vector<16xi32> to vector<1x16xi32>
    tpu.vector_store %arg8[%swap3A_460, %swap3A_461], %swap3A_464 {strides = array<i32>} : memref<4x128xi32, #tpu.memory_space<vmem>>, vector<1x16xi32>,
    %get3A_465 = arith.constant 464 : index
    %get3A_466 = tpu.vector_load %arg6[%get3A_465] {strides = array<i32>} : memref<512xi32, #tpu.memory_space<vmem>>, vector<16xi32>,
    %get3A_467 = vector.shape_cast %get3A_466 : vector<16xi32> to vector<16xi32>
    %get3A_468 = arith.constant 464 : index
    %get3A_469 = tpu.vector_load %arg7[%get3A_468] {strides = array<i32>} : memref<512xi32, #tpu.memory_space<vmem>>, vector<16xi32>,
    %get3A_470 = vector.shape_cast %get3A_469 : vector<16xi32> to vector<16xi32>
    %mul3A_471 = arith.constant 1000 : i32
    %mul3A_472 = vector.broadcast %mul3A_471 : i32 to vector<16xi32>
    %mul3A_473 = arith.muli %get3A_467, %mul3A_472 : vector<16xi32>
    %add3A_474 = arith.addi %mul3A_473, %get3A_470 : vector<16xi32>
    %swap3A_475 = arith.constant 3 : i32
    %swap3A_476 = arith.index_cast %swap3A_475 : i32 to index
    %swap3A_477 = arith.constant 80 : index
    %swap3A_478 = tpu.vector_load %arg8[%swap3A_476, %swap3A_477] {strides = array<i32>} : memref<4x128xi32, #tpu.memory_space<vmem>>, vector<1x16xi32>,
    %swap3A_479 = vector.shape_cast %swap3A_478 : vector<1x16xi32> to vector<16xi32>
    %swap3A_480 = vector.shape_cast %add3A_474 : vector<16xi32> to vector<1x16xi32>
    tpu.vector_store %arg8[%swap3A_476, %swap3A_477], %swap3A_480 {strides = array<i32>} : memref<4x128xi32, #tpu.memory_space<vmem>>, vector<1x16xi32>,
    %get3A_481 = arith.constant 480 : index
    %get3A_482 = tpu.vector_load %arg6[%get3A_481] {strides = array<i32>} : memref<512xi32, #tpu.memory_space<vmem>>, vector<16xi32>,
    %get3A_483 = vector.shape_cast %get3A_482 : vector<16xi32> to vector<16xi32>
    %get3A_484 = arith.constant 480 : index
    %get3A_485 = tpu.vector_load %arg7[%get3A_484] {strides = array<i32>} : memref<512xi32, #tpu.memory_space<vmem>>, vector<16xi32>,
    %get3A_486 = vector.shape_cast %get3A_485 : vector<16xi32> to vector<16xi32>
    %mul3A_487 = arith.constant 1000 : i32
    %mul3A_488 = vector.broadcast %mul3A_487 : i32 to vector<16xi32>
    %mul3A_489 = arith.muli %get3A_483, %mul3A_488 : vector<16xi32>
    %add3A_490 = arith.addi %mul3A_489, %get3A_486 : vector<16xi32>
    %swap3A_491 = arith.constant 3 : i32
    %swap3A_492 = arith.index_cast %swap3A_491 : i32 to index
    %swap3A_493 = arith.constant 96 : index
    %swap3A_494 = tpu.vector_load %arg8[%swap3A_492, %swap3A_493] {strides = array<i32>} : memref<4x128xi32, #tpu.memory_space<vmem>>, vector<1x16xi32>,
    %swap3A_495 = vector.shape_cast %swap3A_494 : vector<1x16xi32> to vector<16xi32>
    %swap3A_496 = vector.shape_cast %add3A_490 : vector<16xi32> to vector<1x16xi32>
    tpu.vector_store %arg8[%swap3A_492, %swap3A_493], %swap3A_496 {strides = array<i32>} : memref<4x128xi32, #tpu.memory_space<vmem>>, vector<1x16xi32>,
    %get3A_497 = arith.constant 496 : index
    %get3A_498 = tpu.vector_load %arg6[%get3A_497] {strides = array<i32>} : memref<512xi32, #tpu.memory_space<vmem>>, vector<16xi32>,
    %get3A_499 = vector.shape_cast %get3A_498 : vector<16xi32> to vector<16xi32>
    %get3A_500 = arith.constant 496 : index
    %get3A_501 = tpu.vector_load %arg7[%get3A_500] {strides = array<i32>} : memref<512xi32, #tpu.memory_space<vmem>>, vector<16xi32>,
    %get3A_502 = vector.shape_cast %get3A_501 : vector<16xi32> to vector<16xi32>
    %mul3A_503 = arith.constant 1000 : i32
    %mul3A_504 = vector.broadcast %mul3A_503 : i32 to vector<16xi32>
    %mul3A_505 = arith.muli %get3A_499, %mul3A_504 : vector<16xi32>
    %add3A_506 = arith.addi %mul3A_505, %get3A_502 : vector<16xi32>
    %swap3A_507 = arith.constant 3 : i32
    %swap3A_508 = arith.index_cast %swap3A_507 : i32 to index
    %swap3A_509 = arith.constant 112 : index
    %swap3A_510 = tpu.vector_load %arg8[%swap3A_508, %swap3A_509] {strides = array<i32>} : memref<4x128xi32, #tpu.memory_space<vmem>>, vector<1x16xi32>,
    %swap3A_511 = vector.shape_cast %swap3A_510 : vector<1x16xi32> to vector<16xi32>
    %swap3A_512 = vector.shape_cast %add3A_506 : vector<16xi32> to vector<1x16xi32>
    tpu.vector_store %arg8[%swap3A_508, %swap3A_509], %swap3A_512 {strides = array<i32>} : memref<4x128xi32, #tpu.memory_space<vmem>>, vector<1x16xi32>,
    %dma_start3A = arith.constant 0 : i32
    %dma_start3A_513 = arith.constant 0 : i32
    %dma_start3A_514 = arith.constant 0 : i32
    %dma_start3A_515 = tpu.memref_slice %arg9[%dma_start3A_513, %dma_start3A_514] : memref<512x64xf32, #tpu.memory_space<vmem>> -> memref<128x64xf32, #tpu.memory_space<vmem>>
    %dma_start3A_516 = arith.constant 0 : i32
    %dma_start3A_517 = tpu.memref_slice %arg8[%dma_start3A, %dma_start3A_516] : memref<4x128xi32, #tpu.memory_space<vmem>> -> memref<1x128xi32, #tpu.memory_space<vmem>>
    %dma_start3A_518 = tpu.memref_squeeze %dma_start3A_517 : memref<1x128xi32, #tpu.memory_space<vmem>> -> memref<128xi32, #tpu.memory_space<vmem>>
    %dma_start3A_519 = arith.constant 0 : i32
    %dma_start3A_520 = arith.constant 0 : i32
    %dma_start3A_521 = tpu.memref_slice %arg4[%dma_start3A_519, %dma_start3A_520] : memref<1000000x64xf32, #tpu.memory_space<hbm>> -> memref<1000000x64xf32, #tpu.memory_space<hbm>>
    tpu.enqueue_indirect_dma source(%dma_start3A_521 : memref<1000000x64xf32, #tpu.memory_space<hbm>>) target(%dma_start3A_515 : memref<128x64xf32, #tpu.memory_space<vmem>>) offsets(%dma_start3A_518 : memref<128xi32, #tpu.memory_space<vmem>>) semaphore(%arg10 : memref<!tpu.dma_semaphore, #tpu.memory_space<semaphore_mem>>)
    %dma_start3A_522 = arith.constant 1 : i32
    %dma_start3A_523 = arith.constant 128 : i32
    %dma_start3A_524 = arith.constant 0 : i32
    %dma_start3A_525 = tpu.memref_slice %arg9[%dma_start3A_523, %dma_start3A_524] : memref<512x64xf32, #tpu.memory_space<vmem>> -> memref<128x64xf32, #tpu.memory_space<vmem>>
    %dma_start3A_526 = arith.constant 0 : i32
    %dma_start3A_527 = tpu.memref_slice %arg8[%dma_start3A_522, %dma_start3A_526] : memref<4x128xi32, #tpu.memory_space<vmem>> -> memref<1x128xi32, #tpu.memory_space<vmem>>
    %dma_start3A_528 = tpu.memref_squeeze %dma_start3A_527 : memref<1x128xi32, #tpu.memory_space<vmem>> -> memref<128xi32, #tpu.memory_space<vmem>>
    %dma_start3A_529 = arith.constant 0 : i32
    %dma_start3A_530 = arith.constant 0 : i32
    %dma_start3A_531 = tpu.memref_slice %arg4[%dma_start3A_529, %dma_start3A_530] : memref<1000000x64xf32, #tpu.memory_space<hbm>> -> memref<1000000x64xf32, #tpu.memory_space<hbm>>
    tpu.enqueue_indirect_dma source(%dma_start3A_531 : memref<1000000x64xf32, #tpu.memory_space<hbm>>) target(%dma_start3A_525 : memref<128x64xf32, #tpu.memory_space<vmem>>) offsets(%dma_start3A_528 : memref<128xi32, #tpu.memory_space<vmem>>) semaphore(%arg10 : memref<!tpu.dma_semaphore, #tpu.memory_space<semaphore_mem>>)
    %dma_start3A_532 = arith.constant 2 : i32
    %dma_start3A_533 = arith.constant 256 : i32
    %dma_start3A_534 = arith.constant 0 : i32
    %dma_start3A_535 = tpu.memref_slice %arg9[%dma_start3A_533, %dma_start3A_534] : memref<512x64xf32, #tpu.memory_space<vmem>> -> memref<128x64xf32, #tpu.memory_space<vmem>>
    %dma_start3A_536 = arith.constant 0 : i32
    %dma_start3A_537 = tpu.memref_slice %arg8[%dma_start3A_532, %dma_start3A_536] : memref<4x128xi32, #tpu.memory_space<vmem>> -> memref<1x128xi32, #tpu.memory_space<vmem>>
    %dma_start3A_538 = tpu.memref_squeeze %dma_start3A_537 : memref<1x128xi32, #tpu.memory_space<vmem>> -> memref<128xi32, #tpu.memory_space<vmem>>
    %dma_start3A_539 = arith.constant 0 : i32
    %dma_start3A_540 = arith.constant 0 : i32
    %dma_start3A_541 = tpu.memref_slice %arg4[%dma_start3A_539, %dma_start3A_540] : memref<1000000x64xf32, #tpu.memory_space<hbm>> -> memref<1000000x64xf32, #tpu.memory_space<hbm>>
    tpu.enqueue_indirect_dma source(%dma_start3A_541 : memref<1000000x64xf32, #tpu.memory_space<hbm>>) target(%dma_start3A_535 : memref<128x64xf32, #tpu.memory_space<vmem>>) offsets(%dma_start3A_538 : memref<128xi32, #tpu.memory_space<vmem>>) semaphore(%arg10 : memref<!tpu.dma_semaphore, #tpu.memory_space<semaphore_mem>>)
    %dma_start3A_542 = arith.constant 3 : i32
    %dma_start3A_543 = arith.constant 384 : i32
    %dma_start3A_544 = arith.constant 0 : i32
    %dma_start3A_545 = tpu.memref_slice %arg9[%dma_start3A_543, %dma_start3A_544] : memref<512x64xf32, #tpu.memory_space<vmem>> -> memref<128x64xf32, #tpu.memory_space<vmem>>
    %dma_start3A_546 = arith.constant 0 : i32
    %dma_start3A_547 = tpu.memref_slice %arg8[%dma_start3A_542, %dma_start3A_546] : memref<4x128xi32, #tpu.memory_space<vmem>> -> memref<1x128xi32, #tpu.memory_space<vmem>>
    %dma_start3A_548 = tpu.memref_squeeze %dma_start3A_547 : memref<1x128xi32, #tpu.memory_space<vmem>> -> memref<128xi32, #tpu.memory_space<vmem>>
    %dma_start3A_549 = arith.constant 0 : i32
    %dma_start3A_550 = arith.constant 0 : i32
    %dma_start3A_551 = tpu.memref_slice %arg4[%dma_start3A_549, %dma_start3A_550] : memref<1000000x64xf32, #tpu.memory_space<hbm>> -> memref<1000000x64xf32, #tpu.memory_space<hbm>>
    tpu.enqueue_indirect_dma source(%dma_start3A_551 : memref<1000000x64xf32, #tpu.memory_space<hbm>>) target(%dma_start3A_545 : memref<128x64xf32, #tpu.memory_space<vmem>>) offsets(%dma_start3A_548 : memref<128xi32, #tpu.memory_space<vmem>>) semaphore(%arg10 : memref<!tpu.dma_semaphore, #tpu.memory_space<semaphore_mem>>)
    %dma_wait3A = arith.constant 0 : i32
    %dma_wait3A_552 = arith.constant 0 : i32
    %dma_wait3A_553 = arith.constant 0 : i32
    %dma_wait3A_554 = tpu.memref_slice %arg9[%dma_wait3A_552, %dma_wait3A_553] : memref<512x64xf32, #tpu.memory_space<vmem>> -> memref<128x64xf32, #tpu.memory_space<vmem>>
    %dma_wait3A_555 = arith.constant 0 : i32
    %dma_wait3A_556 = tpu.memref_slice %arg8[%dma_wait3A, %dma_wait3A_555] : memref<4x128xi32, #tpu.memory_space<vmem>> -> memref<1x128xi32, #tpu.memory_space<vmem>>
    %dma_wait3A_557 = tpu.memref_squeeze %dma_wait3A_556 : memref<1x128xi32, #tpu.memory_space<vmem>> -> memref<128xi32, #tpu.memory_space<vmem>>
    %dma_wait3A_558 = arith.constant 0 : i32
    %dma_wait3A_559 = arith.constant 0 : i32
    %dma_wait3A_560 = tpu.memref_slice %arg4[%dma_wait3A_558, %dma_wait3A_559] : memref<1000000x64xf32, #tpu.memory_space<hbm>> -> memref<1000000x64xf32, #tpu.memory_space<hbm>>
    tpu.wait_indirect_dma semaphore(%arg10 : memref<!tpu.dma_semaphore, #tpu.memory_space<semaphore_mem>>) src(%dma_wait3A_560 : memref<1000000x64xf32, #tpu.memory_space<hbm>>) dst(%dma_wait3A_554 : memref<128x64xf32, #tpu.memory_space<vmem>>)
    %dma_wait3A_561 = arith.constant 1 : i32
    %dma_wait3A_562 = arith.constant 128 : i32
    %dma_wait3A_563 = arith.constant 0 : i32
    %dma_wait3A_564 = tpu.memref_slice %arg9[%dma_wait3A_562, %dma_wait3A_563] : memref<512x64xf32, #tpu.memory_space<vmem>> -> memref<128x64xf32, #tpu.memory_space<vmem>>
    %dma_wait3A_565 = arith.constant 0 : i32
    %dma_wait3A_566 = tpu.memref_slice %arg8[%dma_wait3A_561, %dma_wait3A_565] : memref<4x128xi32, #tpu.memory_space<vmem>> -> memref<1x128xi32, #tpu.memory_space<vmem>>
    %dma_wait3A_567 = tpu.memref_squeeze %dma_wait3A_566 : memref<1x128xi32, #tpu.memory_space<vmem>> -> memref<128xi32, #tpu.memory_space<vmem>>
    %dma_wait3A_568 = arith.constant 0 : i32
    %dma_wait3A_569 = arith.constant 0 : i32
    %dma_wait3A_570 = tpu.memref_slice %arg4[%dma_wait3A_568, %dma_wait3A_569] : memref<1000000x64xf32, #tpu.memory_space<hbm>> -> memref<1000000x64xf32, #tpu.memory_space<hbm>>
    tpu.wait_indirect_dma semaphore(%arg10 : memref<!tpu.dma_semaphore, #tpu.memory_space<semaphore_mem>>) src(%dma_wait3A_570 : memref<1000000x64xf32, #tpu.memory_space<hbm>>) dst(%dma_wait3A_564 : memref<128x64xf32, #tpu.memory_space<vmem>>)
    %dma_wait3A_571 = arith.constant 2 : i32
    %dma_wait3A_572 = arith.constant 256 : i32
    %dma_wait3A_573 = arith.constant 0 : i32
    %dma_wait3A_574 = tpu.memref_slice %arg9[%dma_wait3A_572, %dma_wait3A_573] : memref<512x64xf32, #tpu.memory_space<vmem>> -> memref<128x64xf32, #tpu.memory_space<vmem>>
    %dma_wait3A_575 = arith.constant 0 : i32
    %dma_wait3A_576 = tpu.memref_slice %arg8[%dma_wait3A_571, %dma_wait3A_575] : memref<4x128xi32, #tpu.memory_space<vmem>> -> memref<1x128xi32, #tpu.memory_space<vmem>>
    %dma_wait3A_577 = tpu.memref_squeeze %dma_wait3A_576 : memref<1x128xi32, #tpu.memory_space<vmem>> -> memref<128xi32, #tpu.memory_space<vmem>>
    %dma_wait3A_578 = arith.constant 0 : i32
    %dma_wait3A_579 = arith.constant 0 : i32
    %dma_wait3A_580 = tpu.memref_slice %arg4[%dma_wait3A_578, %dma_wait3A_579] : memref<1000000x64xf32, #tpu.memory_space<hbm>> -> memref<1000000x64xf32, #tpu.memory_space<hbm>>
    tpu.wait_indirect_dma semaphore(%arg10 : memref<!tpu.dma_semaphore, #tpu.memory_space<semaphore_mem>>) src(%dma_wait3A_580 : memref<1000000x64xf32, #tpu.memory_space<hbm>>) dst(%dma_wait3A_574 : memref<128x64xf32, #tpu.memory_space<vmem>>)
    %dma_wait3A_581 = arith.constant 3 : i32
    %dma_wait3A_582 = arith.constant 384 : i32
    %dma_wait3A_583 = arith.constant 0 : i32
    %dma_wait3A_584 = tpu.memref_slice %arg9[%dma_wait3A_582, %dma_wait3A_583] : memref<512x64xf32, #tpu.memory_space<vmem>> -> memref<128x64xf32, #tpu.memory_space<vmem>>
    %dma_wait3A_585 = arith.constant 0 : i32
    %dma_wait3A_586 = tpu.memref_slice %arg8[%dma_wait3A_581, %dma_wait3A_585] : memref<4x128xi32, #tpu.memory_space<vmem>> -> memref<1x128xi32, #tpu.memory_space<vmem>>
    %dma_wait3A_587 = tpu.memref_squeeze %dma_wait3A_586 : memref<1x128xi32, #tpu.memory_space<vmem>> -> memref<128xi32, #tpu.memory_space<vmem>>
    %dma_wait3A_588 = arith.constant 0 : i32
    %dma_wait3A_589 = arith.constant 0 : i32
    %dma_wait3A_590 = tpu.memref_slice %arg4[%dma_wait3A_588, %dma_wait3A_589] : memref<1000000x64xf32, #tpu.memory_space<hbm>> -> memref<1000000x64xf32, #tpu.memory_space<hbm>>
    tpu.wait_indirect_dma semaphore(%arg10 : memref<!tpu.dma_semaphore, #tpu.memory_space<semaphore_mem>>) src(%dma_wait3A_590 : memref<1000000x64xf32, #tpu.memory_space<hbm>>) dst(%dma_wait3A_584 : memref<128x64xf32, #tpu.memory_space<vmem>>)
    "tpu.region"() ({
      %run_scoped3A = tpu.sem_alloc : memref<!tpu.dma_semaphore, #tpu.memory_space<semaphore_mem>>
      %dma_start3A_591 = arith.constant 0 : i32
      %dma_start3A_592 = tpu.memref_slice %arg5[%mul3A_2, %dma_start3A_591] : memref<16384x64xf32, #tpu.memory_space<hbm>> -> memref<512x64xf32, #tpu.memory_space<hbm>>
      %dma_start3A_593 = arith.constant 0 : i32
      %dma_start3A_594 = tpu.memref_slice %arg5[%mul3A_2, %dma_start3A_593] : memref<16384x64xf32, #tpu.memory_space<hbm>> -> memref<512x64xf32, #tpu.memory_space<hbm>>
      tpu.enqueue_dma source(%arg9 : memref<512x64xf32, #tpu.memory_space<vmem>>) target(%dma_start3A_594 : memref<512x64xf32, #tpu.memory_space<hbm>>) target_semaphore(%run_scoped3A : memref<!tpu.dma_semaphore, #tpu.memory_space<semaphore_mem>>)
      %dma_wait3A_595 = arith.constant 0 : i32
      %dma_wait3A_596 = tpu.memref_slice %arg5[%mul3A_2, %dma_wait3A_595] : memref<16384x64xf32, #tpu.memory_space<hbm>> -> memref<512x64xf32, #tpu.memory_space<hbm>>
      %dma_wait3A_597 = arith.constant 0 : i32
      %dma_wait3A_598 = tpu.memref_slice %arg5[%mul3A_2, %dma_wait3A_597] : memref<16384x64xf32, #tpu.memory_space<hbm>> -> memref<512x64xf32, #tpu.memory_space<hbm>>
      tpu.wait_dma2 semaphore(%run_scoped3A : memref<!tpu.dma_semaphore, #tpu.memory_space<semaphore_mem>>) src(%arg9 : memref<512x64xf32, #tpu.memory_space<vmem>>) dst(%dma_wait3A_598 : memref<512x64xf32, #tpu.memory_space<hbm>>)
      tpu.yield
    }) : () -> ()
    return
  }
}

</mosaic_0001>

<sc_bundles>
// kernel: kernel.3.cloned.1.call-start
scs
__scs_entry_jumppad:
0x0: {  	(pc) =	sbr.rel $0x88, $3  }
0x1: {  	(tag) =	ssettag $0x0;
	lr =	simm.s32 $0x1  }
0x2: {  	[smem:$0x3F9F] =	sst lr;
	_ =	strace $0xD0000000  }
0x3: {  	_ = 	snop  }
0x4: {  	_ = 	snop  }
0x5: {  	_ = 	snop  }
0x6: {  	_ = 	snop  }
0x7: {  	_ = 	snop  }
__scs_overlays_trampoline_lowered:
0x8: {  	[smem:$0x3FAE] =	sst s0  }
0x9: {  	[smem:$0x3FAF] =	sst s1  }
0xa: {  	[smem:$0x3FB0] =	sst s2  }
0xb: {  	[smem:$0x3FB1] =	sst s3  }
0xc: {  	[smem:$0x3FB2] =	sst s4  }
0xd: {  	[smem:$0x3FB3] =	sst s5  }
0xe: {  	[smem:$0x3FB4] =	sst s6  }
0xf: {  	[smem:$0x3FB5] =	sst s7  }
0x10: {  	[smem:$0x3FB6] =	sst s8  }
0x11: {  	[smem:$0x3FB7] =	sst s9;
	s0 =	simm.s32 @!p0 $0x0  }
0x12: {  	s1 =	sld [smem:$0x3F9D];
	s0 =	simm.s32 @p0 $0x1  }
0x13: {  	[smem:$0x3FB8] =	sst s0;
	s0 =	simm.s32 @!p1 $0x0  }
0x14: {  	s2 =	sld [smem:$0x3F9C];
	s0 =	simm.s32 @p1 $0x1  }
0x15: {  	[smem:$0x3FB9] =	sst s0;
	s0 =	simm.s32 @!p2 $0x0  }
0x16: {  	s3 =	sld [smem:$0x3FDB];
	s0 =	simm.s32 @p2 $0x1  }
0x17: {  	s4 =	simm.s32 $0x1BF5;
	[smem:$0x3FBB] =	sst s0  }
0x18: {  	s0 =	sld [smem:$0x3F9E];
	_ =	swait.ge [sflag:s4], $0x0  }
0x19: {  	s7 =	sld [smem:$0x3F9F]  }
0x1a: {  	s8 =	sadd.s32 $0xFFFFE003, lr  }
0x1b: {  	s9 =	sadd.s32 $0xFFFFFEF7, lr;
	s5 =	simm.s32 $0xFFFFFFFF;
	p2 =	slt.u32 s8, $0xFFFFF086  }
0x1c: {  	p1 =	slt.u32 s9, $0xF7A;
	s5 =	simm.s32 @!p2 $0x0  }
0x1d: {  	s5 =	simm.s32 @p1 $0x1;
	p0 =	seq.s32 s7, s2  }
0x1e: {  	s7 =	smul.u32 @!p0 $0xF7A, s2;
	p2 =	seq.s32 @!p0 s5, $0x0  }
0x1f: {  	s9 =	smul.u32 $0xF7A, s1;
	s8 =	simm.s32 @!p0 $0x1BF5;
	p2 =	por !p2, p0  }
0x20: {  	[sflag:s8] =	ssyncset.s32 @!p0 $0xFFFFF086;
	s6 =	sadd.s32 @!p0 s3, s7;
	s7 =	simm.s32 @!p0 $0x108  }
0x21: {  	s3 =	sadd.s32 s3, s9;
	s6 =	sadd.s32 @!p0 $0x88, s6;
	s7 =	simm.s32 @p2 $0x1082  }
0x22: {  	[simem:s7], [sflag:s8] =	dma.local @!p0 [hbm:s6], $0xF7A  }
0x23: {  	s9 =	sor.u32 $0xD0000000, s2;
	s6 =	simm.s32 $0x108;
	_ =	swait.ge @!p0 [sflag:s8], $0x0  }
0x24: {  	s3 =	sadd.s32 $0x88, s3;
	s6 =	simm.s32 @!p1 $0x1082;
	[sflag:s4] =	ssyncset.s32 $0xFFFFF086  }
0x25: {  	[simem:s6], [sflag:s4] =	dma.local [hbm:s3], $0xF7A  }
0x26: {  	[smem:$0x3F9F] =	sst s1;
	(tag) =	ssettag s2;
	_ =	strace s9  }
0x27: {  	s1 =	sld [smem:$0x3FAF]  }
0x28: {  	s2 =	sld [smem:$0x3FB0]  }
0x29: {  	s4 =	sld [smem:$0x3FB2]  }
0x2a: {  	p0 =	seq.s32 s5, $0x0;
	s5 =	sld [smem:$0x3FB3]  }
0x2b: {  	s6 =	sld [smem:$0x3FB4]  }
0x2c: {  	s7 =	sld [smem:$0x3FB5]  }
0x2d: {  	s3 =	simm.s32 $0x108;
	s8 =	sld [smem:$0x3FB6]  }
0x2e: {  	s3 =	simm.s32 @!p0 $0x1082;
	s9 =	sld [smem:$0x3FB7]  }
0x2f: {  	lr =	sadd.s32 s0, s3;
	s0 =	sld [smem:$0x3FAE]  }
0x30: {  	s3 =	sld [smem:$0x3FB1]  }
0x31: {  	[smem:$0x3FBA] =	sst s10  }
0x32: {  	s10 =	sld [smem:$0x3FB8];
	_ =	sdelay $0x3  }
0x33: {  	p0 =	seq.s32 s10, $0x1;
	s10 =	sld [smem:$0x3FBA];
	_ =	sdelay $0x3  }
0x34: {  	[smem:$0x3FBA] =	sst s10  }
0x35: {  	s10 =	sld [smem:$0x3FB9];
	_ =	sdelay $0x3  }
0x36: {  	p1 =	seq.s32 s10, $0x1;
	s10 =	sld [smem:$0x3FBA];
	_ =	sdelay $0x3  }
0x37: {  	[smem:$0x3FBA] =	sst s10  }
0x38: {  	s10 =	sld [smem:$0x3FBB]  }
0x39: {  	_ = 	snop;
	(pc) =	sbr.ind lr, $3  }
0x3a: {  	_ = 	snop  }
0x3b: {  	_ = 	snop  }
0x3c: {  	p2 =	seq.s32 s10, $0x1;
	s10 =	sld [smem:$0x3FBA]  }
0x3d: {  	_ =	shalt  }
0x3e: {  	_ =	shalt  }
0x3f: {  	_ =	shalt  }
0x40: {  	_ =	shalt  }
0x41: {  	_ =	shalt  }
0x42: {  	_ =	shalt  }
0x43: {  	_ =	shalt  }
0x44: {  	_ =	shalt  }
0x45: {  	_ =	shalt  }
0x46: {  	_ =	shalt  }
0x47: {  	_ =	shalt  }
0x48: {  	_ =	shalt  }
0x49: {  	_ =	shalt  }
0x4a: {  	_ =	shalt  }
0x4b: {  	_ =	shalt  }
0x4c: {  	_ =	shalt  }
0x4d: {  	_ =	shalt  }
0x4e: {  	_ =	shalt  }
0x4f: {  	_ =	shalt  }
0x50: {  	_ =	shalt  }
0x51: {  	_ =	shalt  }
0x52: {  	_ =	shalt  }
0x53: {  	_ =	shalt  }
0x54: {  	_ =	shalt  }
0x55: {  	_ =	shalt  }
0x56: {  	_ =	shalt  }
0x57: {  	_ =	shalt  }
0x58: {  	_ =	shalt  }
0x59: {  	_ =	shalt  }
0x5a: {  	_ =	shalt  }
0x5b: {  	_ =	shalt  }
0x5c: {  	_ =	shalt  }
0x5d: {  	_ =	shalt  }
0x5e: {  	_ =	shalt  }
0x5f: {  	_ =	shalt  }
0x60: {  	_ =	shalt  }
0x61: {  	_ =	shalt  }
0x62: {  	_ =	shalt  }
0x63: {  	_ =	shalt  }
0x64: {  	_ =	shalt  }
0x65: {  	_ =	shalt  }
0x66: {  	_ =	shalt  }
0x67: {  	_ =	shalt  }
0x68: {  	_ =	shalt  }
0x69: {  	_ =	shalt  }
0x6a: {  	_ =	shalt  }
0x6b: {  	_ =	shalt  }
0x6c: {  	_ =	shalt  }
0x6d: {  	_ =	shalt  }
0x6e: {  	_ =	shalt  }
0x6f: {  	_ =	shalt  }
0x70: {  	_ =	shalt  }
0x71: {  	_ =	shalt  }
0x72: {  	_ =	shalt  }
0x73: {  	_ =	shalt  }
0x74: {  	_ =	shalt  }
0x75: {  	_ =	shalt  }
0x76: {  	_ =	shalt  }
0x77: {  	_ =	shalt  }
0x78: {  	_ =	shalt  }
0x79: {  	_ =	shalt  }
0x7a: {  	_ =	shalt  }
0x7b: {  	_ =	shalt  }
0x7c: {  	_ =	shalt  }
0x7d: {  	_ =	shalt  }
0x7e: {  	_ =	shalt  }
0x7f: {  	_ =	shalt  }
0x80: {  	_ =	shalt  }
0x81: {  	_ =	shalt  }
0x82: {  	_ =	shalt  }
0x83: {  	_ =	shalt  }
0x84: {  	_ =	shalt  }
0x85: {  	_ =	shalt  }
0x86: {  	_ =	shalt  }
0x87: {  	_ =	shalt  }
.Lfunc_end0:
.L_simem_size_0:
called_computation_lowered:
.L_overlay_start_0:
0x88: {  	s2 =	sld [smem:$0x3FD9]  }
0x89: {  	s3 =	sld [smem:$0x3FFE];
	_ =	sdelay $0x1  }
0x8a: {  	s1 =	srdreg.scid  }
0x8b: {  	s0 =	sand.u32 $0x1, s1  }
0x8c: {  	s17 =	sshll.u32 s0, $0xA;
	s2 =	sadd.s32 s3, s2  }
0x8d: {  	s2 =	sadd.s32 s2, s17  }
0x8e: {  	[smem:$0x3FC6] =	sst s2  }
0x8f: {  	_ = 	snop  }
0x90: {  	s2 =	sld [smem:$0x3FD0];
	(tm) =	ssettm $0x1  }
0x91: {  	s18 =	sld [smem:$0x3FFB];
	_ =	sdelay $0x3  }
0x92: {  	_ =	strace s18  }
0x93: {  	s3 =	sld [smem:$0x3FFC];
	_ =	sdelay $0x3  }
0x94: {  	_ =	strace s3  }
0x95: {  	s3 =	sld [smem:$0x3FFD];
	_ =	sdelay $0x3  }
0x96: {  	_ =	strace s3  }
0x97: {  	_ =	strace $0x8FFFFFFF  }
0x98: {  	s19 =	sld [smem:$0x3FDB];
	_ =	sdelay $0x1  }
0x99: {  	s4 =	simm.s32 $_scs_section_size  }
0x9a: {  	s5 =	simm.s32 $_size__tile_overlayer_lowered;
	s6 =	simm.s32 $_tile_overlayer_lowered  }
0x9b: {  	s22 =	simm.s32 $0x1BFF;
	s21 =	sshll.u32 s6, $0x1;
	s3 =	sadd.s32 s4, s19  }
0x9c: {  	s7 =	simm.s32 $0x0;
	s20 =	sshll.u32 s5, $0x1;
	s5 =	sadd.s32 s21, s3  }
0x9d: {  	[timem:s7], [sflag:s22] =	dma.local [hbm:s5], s20  }
0x9e: {  	_ =	swait.ge [sflag:s22], s20  }
0x9f: {  	s4 =	ssub.s32 $0x0, s20;
	[sflag:s22] =	ssyncset.done $0x0  }
0xa0: {  	[sflag:s22] =	ssyncadd.s32 s4;
	_ =	sdelay $0x1  }
0xa1: {  	s23 =	simm.s32 $0x1B8B  }
0xa2: {  	_ =	swait.ge [sflag:s23], $0x1  }
0xa3: {  	[sflag:s23] =	ssyncset.done $0x0  }
0xa4: {  	s25 =	simm.s32 $0x1B8E;
	s24 =	sld [smem:$0x3FFE];
	[sflag:s23] =	ssyncadd.s32 $0xFFFFFFFF  }
0xa5: {  	s26 =	simm.s32 $execute0_lowered;
	[smem:$0x3FD2] =	sst s25  }
0xa6: {  	s5 =	sshll.u32 s26, $0x1;
	_ =	strace $0x80000046;
	[dreg:$0x1] =	wrdreg $0xFFFFFFFF  }
0xa7: {  	s28 =	simm.s32 $_size_execute0_lowered;
	s3 =	sadd.s32 s3, s5;
	[dreg:$0x0] =	wrdreg $0x0  }
0xa8: {  	s5 =	sshll.u32 s28, $0x1;
	[dreg:$0x2] =	wrdreg s3  }
0xa9: {  	[dreg:$0x3] =	wrdreg s5  }
0xaa: {  	[dreg:$0x4] =	wrdreg $0xC0  }
0xab: {  	_ =	task [dreg:s7], $0x5FFFF  }
0xac: {  	[dreg:$0x1] =	wrdreg $0xFFFFFFFF  }
0xad: {  	[dreg:$0x0] =	wrdreg $0x60  }
0xae: {  	[dreg:$0x2] =	wrdreg s24  }
0xaf: {  	[dreg:$0x3] =	wrdreg s2  }
0xb0: {  	[dreg:$0x4] =	wrdreg $0x9  }
0xb1: {  	_ =	task.clear_ibuf [dreg:s7], $0x5FFFF;
	_ =	strace $0x90000046  }
0xb2: {  	s29 =	simm.s32 $0x9;
	_ =	strace $0x80000048  }
0xb3: {  	_ =	swait.ge [sflag:s29], $0x1  }
0xb4: {  	[sflag:s29] =	ssyncadd.s32 $0xFFFFFFFF  }
0xb5: {  	_ =	strace $0x90000048  }
0xb6: {  	_ =	sfence  }
0xb7: {  	s30 =	sld [smem:$0x0];
	_ =	sdelay $0x2  }
0xb8: {  	s31 =	sshll.u32 s1, $0xD;
	s1 =	sshrl.u32 s1, $0x2  }
0xb9: {  	s3 =	sand.u32 $0x4000, s31;
	s1 =	sadd.s32 s1, s30  }
0xba: {  	s0 =	sor.u32 s3, s0;
	s1 =	sshll.u32 s1, $0x11  }
0xbb: {  	s0 =	sor.u32 s1, s0  }
0xbc: {  	s0 =	sadd.s32 $0x8F2B, s0  }
0xbd: {  	[sflag:s0] =	ssyncadd.remote.s32 $0x1  }
0xbe: {  	_ =	sfence.sel $0xFFFF  }
0xbf: {  	[dreg:$0x0] =	wrdreg $0xFFFFFFFF;
	(pc) =	sbr.abs _section_cstart, $3  }
0xc0: {  	[dreg:$0x1] =	wrdreg $0xFFFFFFFF  }
0xc1: {  	_ =	task.clear_ibuf [dreg:s7], $0x2FFFF;
	_ =	strace $0x9FFFFFFF  }
0xc2: {  	(tm) =	ssettm $0x7FFFFFFF  }
0xc3: {  	_ =	shalt  }
tec
execute0_lowered:
.L_overlay_start_1:
0x0: {  	(tag) =	ssettag $0x1  }
0x1: {  	s3 =	rddreg [dreg:$0x0]  }
0x2: {  	s6 =	rddreg [dreg:$0x1];
	s2 =	srdreg.scid  }
0x3: {  	s0 =	rddreg [dreg:$0x2];
	s1 =	stileid.u32  }
0x4: {  	s10 =	simm.s32 $0x80;
	s11 =	simm.s32 $0x400;
	s12 =	simm.s32 $0x600  }
0x5: {  	s13 =	simm.s32 $0x480;
	s14 =	simm.s32 $0x2600;
	s15 =	simm.s32 $0x500  }
0x6: {  	s16 =	simm.s32 $0x4600;
	s17 =	simm.s32 $0x580;
	s18 =	simm.s32 $0x6600  }
0x7: {  	s19 =	simm.s32 $0x1;
	s4 =	sand.u32 $0x1, s2;
	s2 =	simm.s32 $0x0  }
0x8: {  	s5 =	sshll.u32 s1, $0xA;
	s7 =	sshll.u32 s4, $0x9;
	s4 =	ssub.s32 $0x2, s4  }
0x9: {  	[smem:$0x7FF] =	sst s2;
	s5 =	sor.u32 s7, s5;
	s8 =	sshrl.u32 s4, $0x1  }
0xa: {  	_ =	strace $0x80000047;
	s7 =	sshrl.u32 s5, $0x3;
	s8 =	ssub.s32 s4, s8  }
0xb: {  	s9 =	sshll.u32 s5, $0x3;
	s7 =	sadd.s32 s7, s3;
	s3 =	sadd.s32 $0xF43A00, s3  }
0xc: {  	s6 =	sadd.s32 s6, s9;
	s9 =	simm.s32 $0x200;
	s4 =	sadd.s32 $0xE00, s7  }
0xd: {  	s5 =	sadd.s32 $0x600, s7;
	s7 =	smax.u32 s8, $0x1;
	s8 =	simm.s32 $0x2  }
.LBB2_1:
0xe: {  	[tilespmem:s2], [sflag:$0x2] =	stream.linear.gather [hbm4b:s4+s2], $0x200, $0x38;
	[tilespmem:$0x8600] =	vst v63  }
0xf: {  	_ =	swait.ge [sflag:s8], $0x200  }
0x10: {  	[sflag:s8] =	ssyncset.done $0x0  }
0x11: {  	[sflag:s8] =	ssyncadd.s32 $0xFFFFFE00  }
0x12: {  	[tilespmem:s9], [sflag:$0x2] =	stream.linear.gather [hbm4b:s5+s2], $0x200, $0x38;
	[tilespmem:$0x8600] =	vst v63  }
0x13: {  	_ =	swait.ge [sflag:s8], $0x200  }
0x14: {  	[sflag:s8] =	ssyncset.done $0x0  }
0x15: {  	[sflag:s8] =	ssyncadd.s32 $0xFFFFFE00  }
0x16: {  	v0 =	vld [tilespmem:$0x0]  }
0x17: {  	v1 =	vld [tilespmem:$0x200]  }
0x18: {  	v2 =	vld [tilespmem:$0x10]  }
0x19: {  	v3 =	vld [tilespmem:$0x210]  }
0x1a: {  	v4 =	vld [tilespmem:$0x20]  }
0x1b: {  	v5 =	vld [tilespmem:$0x220]  }
0x1c: {  	v6 =	vld [tilespmem:$0x30]  }
0x1d: {  	v7 =	vld [tilespmem:$0x230]  }
0x1e: {  	v8 =	vld [tilespmem:$0x40]  }
0x1f: {  	v9 =	vld [tilespmem:$0x240]  }
0x20: {  	v10 =	vld [tilespmem:$0x50]  }
0x21: {  	v11 =	vld [tilespmem:$0x250]  }
0x22: {  	v12 =	vld [tilespmem:$0x60]  }
0x23: {  	v13 =	vld [tilespmem:$0x260]  }
0x24: {  	v14 =	vld [tilespmem:$0x70]  }
0x25: {  	v15 =	vld [tilespmem:$0x270]  }
0x26: {  	v16 =	vld [tilespmem:$0x80]  }
0x27: {  	v17 =	vld [tilespmem:$0x280]  }
0x28: {  	v18 =	vld [tilespmem:$0x90]  }
0x29: {  	v19 =	vld [tilespmem:$0x290]  }
0x2a: {  	v20 =	vld [tilespmem:$0xA0]  }
0x2b: {  	v21 =	vld [tilespmem:$0x2A0]  }
0x2c: {  	v22 =	vld [tilespmem:$0xB0]  }
0x2d: {  	v23 =	vld [tilespmem:$0x2B0]  }
0x2e: {  	v24 =	vld [tilespmem:$0xC0]  }
0x2f: {  	v25 =	vld [tilespmem:$0x2C0]  }
0x30: {  	v26 =	vld [tilespmem:$0xD0]  }
0x31: {  	v27 =	vld [tilespmem:$0x2D0]  }
0x32: {  	v28 =	vld [tilespmem:$0xE0]  }
0x33: {  	v29 =	vld [tilespmem:$0x2E0]  }
0x34: {  	v30 =	vld [tilespmem:$0xF0]  }
0x35: {  	v31 =	vld [tilespmem:$0x2F0]  }
0x36: {  	v32 =	vld [tilespmem:$0x100]  }
0x37: {  	v33 =	vld [tilespmem:$0x300]  }
0x38: {  	v34 =	vld [tilespmem:$0x110]  }
0x39: {  	v35 =	vld [tilespmem:$0x310];
	v0 =	vmul.u32 $0x3E8, v0  }
0x3a: {  	v36 =	vld [tilespmem:$0x120];
	v2 =	vmul.u32 $0x3E8, v2  }
0x3b: {  	v38 =	vld [tilespmem:$0x350];
	v54 =	vmul.u32 $0x3E8, v4;
	v0 =	vadd.s32 v1, v0  }
0x3c: {  	v41 =	vld [tilespmem:$0x160];
	v56 =	vmul.u32 $0x3E8, v6;
	v55 =	vadd.s32 v3, v2;
	[tilespmem:$0x400] =	vst v0  }
0x3d: {  	v44 =	vld [tilespmem:$0x360];
	v58 =	vmul.u32 $0x3E8, v8;
	v57 =	vadd.s32 v5, v54;
	[tilespmem:$0x410] =	vst v55  }
0x3e: {  	v47 =	vld [tilespmem:$0x170];
	v60 =	vmul.u32 $0x3E8, v10;
	v59 =	vadd.s32 v7, v56;
	[tilespmem:$0x420] =	vst v57  }
0x3f: {  	v50 =	vld [tilespmem:$0x370];
	v62 =	vmul.u32 $0x3E8, v12;
	v61 =	vadd.s32 v9, v58;
	[tilespmem:$0x430] =	vst v59  }
0x40: {  	v53 =	vld [tilespmem:$0x180];
	v12 =	vmul.u32 $0x3E8, v14;
	v63 =	vadd.s32 v11, v60;
	[tilespmem:$0x440] =	vst v61  }
0x41: {  	v4 =	vld [tilespmem:$0x320];
	v37 =	vmul.u32 $0x3E8, v16;
	v14 =	vadd.s32 v13, v62;
	[tilespmem:$0x450] =	vst v63  }
0x42: {  	v6 =	vld [tilespmem:$0x140];
	v40 =	vmul.u32 $0x3E8, v18;
	v39 =	vadd.s32 v15, v12;
	[tilespmem:$0x460] =	vst v14  }
0x43: {  	v8 =	vld [tilespmem:$0x150];
	v43 =	vmul.u32 $0x3E8, v20;
	v42 =	vadd.s32 v17, v37;
	[tilespmem:$0x470] =	vst v39  }
0x44: {  	v46 =	vmul.u32 $0x3E8, v22;
	v22 =	vld [tilespmem:$0x1A0];
	v45 =	vadd.s32 v19, v40;
	[tilespmem:$0x480] =	vst v42  }
0x45: {  	v49 =	vmul.u32 $0x3E8, v24;
	v3 =	vld [tilespmem:$0x130];
	v48 =	vadd.s32 v21, v43;
	[tilespmem:$0x490] =	vst v45  }
0x46: {  	v24 =	vmul.u32 $0x3E8, v36;
	v36 =	vmul.u32 $0x3E8, v41;
	v5 =	vld [tilespmem:$0x330];
	v51 =	vadd.s32 v23, v46;
	[tilespmem:$0x4A0] =	vst v48  }
0x47: {  	v52 =	vmul.u32 $0x3E8, v26;
	v7 =	vld [tilespmem:$0x340];
	v54 =	vadd.s32 v25, v49;
	[tilespmem:$0x4B0] =	vst v51  }
0x48: {  	v56 =	vld [tilespmem:$0x380];
	v58 =	vmul.u32 $0x3E8, v30;
	v41 =	vadd.s32 v44, v36;
	[tilespmem:$0x4C0] =	vst v54  }
0x49: {  	v62 =	vld [tilespmem:$0x390];
	v21 =	vmul.u32 $0x3E8, v34;
	v57 =	vadd.s32 v27, v52;
	[tilespmem:$0x560] =	vst v41  }
0x4a: {  	v25 =	vld [tilespmem:$0x3A0];
	v55 =	vmul.u32 $0x3E8, v28;
	[tilespmem:$0x4D0] =	vst v57;
	v63 =	vadd.s32 v31, v58  }
0x4b: {  	v34 =	vld [tilespmem:$0x1C0];
	v61 =	vmul.u32 $0x3E8, v32;
	v26 =	vadd.s32 v35, v21;
	[tilespmem:$0x4F0] =	vst v63  }
0x4c: {  	v37 =	vld [tilespmem:$0x3C0];
	v60 =	vadd.s32 v29, v55;
	[tilespmem:$0x510] =	vst v26  }
0x4d: {  	v40 =	vld [tilespmem:$0x1D0];
	v39 =	vmul.u32 $0x3E8, v47;
	v23 =	vadd.s32 v33, v61;
	[tilespmem:$0x4E0] =	vst v60  }
0x4e: {  	v43 =	vld [tilespmem:$0x3D0];
	v29 =	vadd.s32 v4, v24;
	v30 =	vmul.u32 $0x3E8, v6;
	[tilespmem:$0x500] =	vst v23  }
0x4f: {  	v46 =	vld [tilespmem:$0x1E0];
	v33 =	vmul.u32 $0x3E8, v8;
	v44 =	vadd.s32 v50, v39;
	[tilespmem:$0x520] =	vst v29  }
0x50: {  	v59 =	vld [tilespmem:$0x190];
	v42 =	vmul.u32 $0x3E8, v53;
	[tilespmem:$0x570] =	vst v44;
	v35 =	vadd.s32 v7, v30  }
0x51: {  	v28 =	vld [tilespmem:$0x1B0];
	v48 =	vmul.u32 $0x3E8, v22;
	v38 =	vadd.s32 v38, v33;
	[tilespmem:$0x540] =	vst v35  }
0x52: {  	v49 =	vld [tilespmem:$0x1F0];
	v27 =	vmul.u32 $0x3E8, v3;
	v47 =	vadd.s32 v56, v42;
	[tilespmem:$0x550] =	vst v38  }
0x53: {  	v31 =	vld [tilespmem:$0x3B0];
	v53 =	vadd.s32 v25, v48;
	v54 =	vmul.u32 $0x3E8, v34;
	[tilespmem:$0x580] =	vst v47  }
0x54: {  	v52 =	vld [tilespmem:$0x3E0];
	v57 =	vmul.u32 $0x3E8, v40;
	[tilespmem:$0x5A0] =	vst v53;
	v32 =	vadd.s32 v5, v27  }
0x55: {  	v55 =	vld [tilespmem:$0x3F0];
	v45 =	vmul.u32 $0x3E8, v59;
	v58 =	vadd.s32 v37, v54;
	[tilespmem:$0x530] =	vst v32  }
0x56: {  	v51 =	vmul.u32 $0x3E8, v28;
	v60 =	vadd.s32 v43, v57;
	[tilespmem:$0x5C0] =	vst v58  }
0x57: {  	v59 =	vmul.u32 $0x3E8, v46;
	v50 =	vadd.s32 v62, v45;
	[tilespmem:$0x5D0] =	vst v60  }
0x58: {  	v61 =	vmul.u32 $0x3E8, v49;
	v56 =	vadd.s32 v31, v51;
	[tilespmem:$0x590] =	vst v50  }
0x59: {  	v62 =	vadd.s32 v52, v59;
	[tilespmem:$0x5B0] =	vst v56  }
0x5a: {  	v63 =	vadd.s32 v55, v61;
	[tilespmem:$0x5E0] =	vst v62  }
0x5b: {  	[tilespmem:$0x5F0] =	vst v63  }
0x5c: {  	[tilespmem:s12], [sflag:$0x1] =	stream.indirect.gather [hbm4b:s3+s10], $0x40, s11, s10, $0xb8;
	[tilespmem:$0x8600] =	vst v63  }
0x5d: {  	_ = 	snop  }
0x5e: {  	[tilespmem:s14], [sflag:$0x1] =	stream.indirect.gather [hbm4b:s3+s10], $0x40, s13, s10, $0xb8;
	[tilespmem:$0x8600] =	vst v63  }
0x5f: {  	_ = 	snop  }
0x60: {  	[tilespmem:s16], [sflag:$0x1] =	stream.indirect.gather [hbm4b:s3+s10], $0x40, s15, s10, $0xb8;
	[tilespmem:$0x8600] =	vst v63  }
0x61: {  	_ = 	snop  }
0x62: {  	[tilespmem:s18], [sflag:$0x1] =	stream.indirect.gather [hbm4b:s3+s10], $0x40, s17, s10, $0xb8;
	[tilespmem:$0x8600] =	vst v63  }
0x63: {  	_ =	swait.ge [sflag:s19], $0x2000  }
0x64: {  	[sflag:s19] =	ssyncset.done $0x0  }
0x65: {  	[sflag:s19] =	ssyncadd.s32 $0xFFFFE000  }
0x66: {  	_ =	swait.ge [sflag:s19], $0x2000  }
0x67: {  	[sflag:s19] =	ssyncset.done $0x0  }
0x68: {  	[sflag:s19] =	ssyncadd.s32 $0xFFFFE000  }
0x69: {  	_ =	swait.ge [sflag:s19], $0x2000  }
0x6a: {  	[sflag:s19] =	ssyncset.done $0x0  }
0x6b: {  	[sflag:s19] =	ssyncadd.s32 $0xFFFFE000  }
0x6c: {  	_ =	swait.ge [sflag:s19], $0x2000  }
0x6d: {  	p0 =	sne.s32 s7, $0x1;
	[sflag:s19] =	ssyncset.done $0x0  }
.Ltmp0:
0x6e: {  	[sflag:s19] =	ssyncadd.s32 $0xFFFFE000;
	(pc) =	sbr.rel @p0 .LBB2_1-.Ltmp0, $4  }
0x6f: {  	[hbm4b:s6+s2] =	stream.linear.scatter [tilespmem:s12], [sflag:$0x2], $0x8000, $0x38;
	[tilespmem:$0x8600] =	vst v63  }
0x70: {  	_ =	swait.ge [sflag:s8], $0x8000  }
0x71: {  	[sflag:s8] =	ssyncset.done $0x0  }
0x72: {  	s7 =	sadd.s32 $0xFFFFFFFF, s7;
	[sflag:s8] =	ssyncadd.s32 $0xFFFF8000  }
0x73: {  	_ =	sfence.sel $0x180000  }
0x74: {  	[bflag:$0x0] =	sbarrier.arrive $0xFFFF  }
0x75: {  	p0 =	sne.s32 s1, $0x0;
	_ =	strace $0x90000047  }
0x76: {  	s0 =	sadd.s32 @!p0 $0x100000, s0;
	[bflag:$0x2] =	sbarrier.arrive $0xFFFF  }
0x77: {  	[sflag:s0] =	ssyncadd.tile.s32 @!p0 $0x1;
	_ =	shalt  }
.Lfunc_end2:
_tile_overlayer_lowered:
.L_overlay_start_2:
0x78: {  	(tag) =	ssettag $0x2  }
0x79: {  	s0 =	rddreg [dreg:$0x0];
	s2 =	stileid.u32  }
0x7a: {  	s1 =	rddreg [dreg:$0x1];
	p0 =	sne.s32 s2, $0x0  }
0x7b: {  	s3 =	rddreg [dreg:$0x2];
	[bflag:$0x3] =	sbarrier.arrive $0xFFFF;
	s2 =	simm.s32 @!p0 $0x1C02  }
0x7c: {  	[timem:s3], [sflag:s2] =	dma.local @!p0 [hbm:s0], s1  }
0x7d: {  	s0 =	simm.s32 @!p0 $0x2  }
0x7e: {  	_ =	swait.ge @!p0 [sflag:s0], s1  }
0x7f: {  	s1 =	ssub.s32 @!p0 $0x0, s1;
	[sflag:s0] =	ssyncset.done @!p0 $0x0  }
0x80: {  	[sflag:s0] =	ssyncadd.s32 @!p0 s1  }
0x81: {  	[bflag:$0x3] =	sbarrier.arrive $0xFFFF  }
0x82: {  	_ =	shalt  }

</sc_bundles>
